<compile_context>
chip_gen: v7x
topology: tpu7x:2x2x1
jax: 0.10.2.dev20260603
libtpu: 0.0.44.dev20260713+nightly
codegen_flags: <defaults>
</compile_context>

<pallas_src>
import functools

import jax
import jax.numpy as jnp
import numpy as np
from jax import lax
from jax.experimental import pallas as pl
from jax.experimental.pallas import tpu as pltpu
from jax.experimental.pallas import tpu_sc as plsc

_T = 16384
_LM = 115
_W = 345
_BF = 512
_NOUT = 128


_HI, _HJ = np.triu_indices(21, k=1)
_PI, _PJ = np.triu_indices(25, k=1)
_LI, _LJ = np.triu_indices(20, k=1)


def _build_consts():
    def col(l, c):
        return c * 86 + l

    s1 = np.zeros((258, 153), np.float32)
    for j in range(63):
        s1[col(j // 3, j % 3), j] = 1.0
    for q in range(50):
        s1[col(21 + q // 2, q % 2), 63 + q] = 1.0
    for q in range(40):
        s1[col(46 + q // 2, q % 2), 113 + q] = 1.0

    g = np.zeros((3, 258, 890), np.float32)
    for p, (a, b) in enumerate(zip(_HI, _HJ)):
        for c in range(3):
            g[c, col(a, c), p] += 1.0
            g[c, col(b, c), p] -= 1.0
    for p, (a, b) in enumerate(zip(_PI, _PJ)):
        for c in range(2):
            g[c, col(21 + a, c), 210 + p] += 1.0
            g[c, col(21 + b, c), 210 + p] -= 1.0
    for p, (a, b) in enumerate(zip(_LI, _LJ)):
        for c in range(2):
            g[c, col(46 + a, c), 510 + p] += 1.0
            g[c, col(46 + b, c), 510 + p] -= 1.0
    for p, (a, b) in enumerate(zip(_LI, _LJ)):
        for c in range(2):
            g[c, col(66 + a, c), 700 + p] += 1.0
            g[c, col(66 + b, c), 700 + p] -= 1.0
    return s1, g[0], g[1], g[2]


_S1, _G0, _G1, _G2 = _build_consts()
_S1T = np.ascontiguousarray(_S1.T)
_G0T = np.ascontiguousarray(_G0.T)
_G1T = np.ascontiguousarray(_G1.T)
_G2T = np.ascontiguousarray(_G2.T)


_MASKS = np.zeros((2, _W), np.float32)
_MASKS[0, :] = ((np.arange(_W) % 115 >= 40) & (np.arange(_W) % 115 < 61))
_MASKS[1, :] = (np.arange(_W) % 115 >= 94)


def _scan_body(x_ref, m_ref, sums_ref, scal_ref):
    i = pl.program_id(0)
    xb = x_ref[...]
    xb = jnp.where(jnp.isnan(xb), jnp.float32(0.0), xb)
    z = jnp.where(xb != 0.0, 1.0, 0.0)
    m = m_ref[...]
    s2 = jnp.dot(m, xb, preferred_element_type=jnp.float32)
    c2 = jnp.dot(m, z, preferred_element_type=jnp.float32)
    sums_ref[...] = s2
    k2 = jnp.where(s2 != 0.0, 1.0, 0.0)
    lnz = jnp.sum(c2[0:1, :])
    rnz = jnp.sum(c2[1:2, :])
    nkl = jnp.sum(k2[0:1, :])
    nkr = jnp.sum(k2[1:2, :])
    ri = lax.broadcasted_iota(jnp.int32, (4, 16), 0)
    srow = (jnp.where(ri == 0, lnz, 0.0) + jnp.where(ri == 1, rnz, 0.0)
            + jnp.where(ri == 2, nkl, 0.0) + jnp.where(ri == 3, nkr, 0.0))

    @pl.when(i == 0)
    def _():
        scal_ref[...] = jnp.zeros_like(scal_ref)

    scal_ref[...] += srow


def _run_scan(xt):
    return pl.pallas_call(
        _scan_body,
        grid=(_T // _BF,),
        in_specs=[pl.BlockSpec((_W, _BF), lambda i: (0, i)),
                  pl.BlockSpec((2, _W), lambda i: (0, 0))],
        out_specs=[pl.BlockSpec((2, _BF), lambda i: (0, i)),
                   pl.BlockSpec((4, 16), lambda i: (0, 0))],
        out_shape=[jax.ShapeDtypeStruct((2, _T), jnp.float32),
                   jax.ShapeDtypeStruct((4, 16), jnp.float32)],
    )(xt, jnp.asarray(_MASKS))


@functools.cache
def _make_compact():
    mesh = plsc.VectorSubcoreMesh(core_axis_name="c", subcore_axis_name="s")
    return pl.kernel(
        _compact_body,
        mesh=mesh,
        compiler_params=pltpu.CompilerParams(needs_layout_passes=False),
        out_type=[jax.ShapeDtypeStruct((_NOUT,), jnp.int32),
                  jax.ShapeDtypeStruct((16,), jnp.int32),
                  jax.ShapeDtypeStruct((_T // _BF,), jnp.int32)],
        scratch_types=[pltpu.VMEM((2 * _T,), jnp.float32),
                       pltpu.VMEM((64,), jnp.float32),
                       pltpu.VMEM((16,), jnp.int32),
                       pltpu.VMEM((16,), jnp.int32),
                       pltpu.VMEM((16,), jnp.int32),
                       pltpu.VMEM((16,), jnp.int32),
                       pltpu.VMEM((16,), jnp.int32),
                       pltpu.VMEM((_NOUT,), jnp.int32),
                       pltpu.VMEM((16,), jnp.int32),
                       pltpu.VMEM((_T // _BF,), jnp.int32)],
    )


def _compact_body(sums_hbm, scal_hbm, order_hbm, meta_hbm, blk_hbm,
                  sums_v, sv, tmp_v, cond_r, nk_r, fi_r, kc_r,
                  order_v, meta_v, blk_v):
    first = (lax.axis_index("c") == 0) & (lax.axis_index("s") == 0)

    @pl.when(first)
    def _():
        pltpu.sync_copy(sums_hbm, sums_v)
        pltpu.sync_copy(scal_hbm, sv)
        lane = lax.broadcasted_iota(jnp.int32, (16,), 0)
        lnzv = sv[pl.ds(0, 16)]
        rnzv = sv[pl.ds(16, 16)]
        cond_v = lnzv > rnzv
        nk_v = jnp.where(cond_v, sv[pl.ds(32, 16)],
                         sv[pl.ds(48, 16)]).astype(jnp.int32)
        neff_v = jnp.where(nk_v == 0, jnp.int32(_T), nk_v)
        cond_r[...] = cond_v.astype(jnp.int32)
        nk_r[...] = nk_v
        fi_r[...] = lane
        kc_r[...] = jnp.zeros((16,), jnp.int32)

        for j in range(_NOUT // 16):
            order_v[pl.ds(j * 16, 16)] = jnp.zeros((16,), jnp.int32)

        nk_s = nk_v[0]

        def loop_cond(carry):
            i, kc = carry
            drops = i * 16 - kc
            done = ((kc >= jnp.minimum(nk_s, _NOUT))
                    & ((nk_s >= _NOUT) | (drops >= _NOUT - nk_s)))
            return (i < _T // 16) & jnp.logical_not(done)

        def body_fn(carry):
            i, kc_sc = carry
            ln = lax.broadcasted_iota(jnp.int32, (16,), 0)
            condv = cond_r[...] != 0
            nkv = nk_r[...]
            fi = fi_r[...]
            kc = kc_r[...]
            lvv = sums_v[pl.ds(i * 16, 16)]
            rvv = sums_v[pl.ds(_T + i * 16, 16)]
            selv = jnp.where(condv, lvv, rvv)
            kept = selv != 0.0
            ki = kept.astype(jnp.int32)
            cs = ki
            for k in (1, 2, 4, 8):
                tmp_v[...] = cs
                sh = plsc.load_gather(tmp_v, [jnp.maximum(ln - k, 0)],
                                      mask=ln >= k)
                cs = cs + jnp.where(ln >= k, sh, 0)
            kcv = kc + cs
            dest = jnp.where(kept, kcv - 1, nkv + fi - kcv)
            plsc.store_scatter(order_v, [dest], fi, mask=dest < _NOUT)
            tmp_v[...] = kcv
            kc_r[...] = plsc.load_gather(tmp_v, [jnp.full((16,), 15,
                                                          jnp.int32)])
            fi_r[...] = fi + 16
            return i + 1, kcv[15]

        lax.while_loop(loop_cond, body_fn, (jnp.int32(0), jnp.int32(0)))

        meta_v[...] = jnp.where(lane == 0, neff_v, 0)
        for j in range(2):
            blk_v[pl.ds(j * 16, 16)] = jnp.zeros((16,), jnp.int32)
        ones = jnp.full((16,), 1, jnp.int32)
        for j in range(_NOUT // 16):
            ids = order_v[pl.ds(j * 16, 16)]
            plsc.store_scatter(blk_v, [lax.shift_right_logical(ids, 9)],
                               ones)
        pltpu.sync_copy(order_v, order_hbm)
        pltpu.sync_copy(meta_v, meta_hbm)
        pltpu.sync_copy(blk_v, blk_hbm)


def _feat_body(blk_ref, ord_ref, xt_ref, scal_ref, meta_ref, s1_ref,
               g0_ref, g1_ref, g2_ref, o_ref, xg_ref, xb_ref, sem):
    i = pl.program_id(0)

    @pl.when(i == 0)
    def _():
        xg_ref[...] = jnp.zeros_like(xg_ref)

    @pl.when(blk_ref[i] != 0)
    def _():
        cp = pltpu.make_async_copy(
            xt_ref.at[:, pl.ds(i * _BF, _BF)], xb_ref, sem)
        cp.start()
        cp.wait()
        xb = xb_ref[...]
        xb = jnp.where(jnp.isnan(xb), jnp.float32(0.0), xb)
        fid = lax.broadcasted_iota(jnp.int32, (_BF, _NOUT), 0) + i * _BF
        p = jnp.where(fid == ord_ref[...], 1.0, 0.0)
        xg_ref[...] += jnp.dot(xb, p, preferred_element_type=jnp.float32)

    @pl.when(i == _T // _BF - 1)
    def _():
        _feat_tail(scal_ref, meta_ref, s1_ref, g0_ref, g1_ref, g2_ref,
                   o_ref, xg_ref)


def _feat_tail(scal_ref, meta_ref, s1_ref, g0_ref, g1_ref, g2_ref,
               o_ref, xg_ref):
    xg = xg_ref[...]
    cond = scal_ref[0, 0] > scal_ref[1, 0]
    neff = meta_ref[0, 0]
    parts = []
    for c in range(3):
        b = c * 115
        hand_c = jnp.where(cond, xg[b + 40:b + 61, :],
                           xg[b + 94:b + 115, :])
        parts += [hand_c, xg[b + 61:b + 86, :], xg[b:b + 40, :]]
    xf = jnp.concatenate(parts, axis=0)
    rowc = lax.broadcasted_iota(jnp.int32, (258, 1), 0)
    xf = xf * jnp.where(cond & (rowc < 86), -1.0, 1.0)
    xf_next = jnp.concatenate(
        [xf[:, 1:], jnp.zeros((258, 1), jnp.float32)], axis=1)
    coli = lax.broadcasted_iota(jnp.int32, (1, _NOUT), 1)
    dxyz = jnp.where(coli < neff - 1, xf - xf_next, 0.0)
    lin1 = jnp.dot(s1_ref[...], xf, preferred_element_type=jnp.float32)
    lin2 = jnp.dot(s1_ref[...], dxyz, preferred_element_type=jnp.float32)
    d0 = jnp.dot(g0_ref[...], xf, preferred_element_type=jnp.float32)
    d1 = jnp.dot(g1_ref[...], xf, preferred_element_type=jnp.float32)
    d2 = jnp.dot(g2_ref[...], xf, preferred_element_type=jnp.float32)
    dist = jnp.sqrt(d0 * d0 + d1 * d1 + d2 * d2)
    o_ref[...] = jnp.concatenate([lin1, lin2, dist], axis=0)


def _run_features(xt, blk, order, scal, meta16):
    nb = _T // _BF
    return pl.pallas_call(
        _feat_body,
        grid=(nb,),
        in_specs=[pl.BlockSpec(memory_space=pltpu.MemorySpace.SMEM),
                  pl.BlockSpec((1, _NOUT), lambda i: (0, 0)),
                  pl.BlockSpec(memory_space=pltpu.MemorySpace.HBM),
                  pl.BlockSpec((4, 16), lambda i: (0, 0)),
                  pl.BlockSpec((1, 16), lambda i: (0, 0)),
                  pl.BlockSpec((153, 258), lambda i: (0, 0)),
                  pl.BlockSpec((890, 258), lambda i: (0, 0)),
                  pl.BlockSpec((890, 258), lambda i: (0, 0)),
                  pl.BlockSpec((890, 258), lambda i: (0, 0))],
        out_specs=pl.BlockSpec((1196, _NOUT), lambda i: (0, 0)),
        out_shape=jax.ShapeDtypeStruct((1196, _NOUT), jnp.float32),
        scratch_shapes=[pltpu.VMEM((_W, _NOUT), jnp.float32),
                        pltpu.VMEM((_W, _BF), jnp.float32),
                        pltpu.SemaphoreType.DMA],
    )(blk, order, xt, scal, meta16, jnp.asarray(_S1T), jnp.asarray(_G0T),
      jnp.asarray(_G1T), jnp.asarray(_G2T))


def kernel(x):
    xt = x.transpose(2, 1, 0).reshape(_W, _T)
    sums, scal = _run_scan(xt)
    order, meta, blk = _make_compact()(sums.reshape(2 * _T),
                                       scal.reshape(64))
    outt = _run_features(xt, blk, order.reshape(1, _NOUT), scal,
                         meta.reshape(1, 16))
    return outt.T[:100]

# --- scband reference (transcript-rebuilt; emitter-appended) ---
"""Pipeline reference for scband-feature-gen-pytorch-91122026151937 (READ-ONLY COPY).

The authoritative reference and input builder live on the scoring server;
editing this copy changes nothing except your own understanding.
"""

import jax, jax.numpy as jnp
import numpy as np

HIU, HJU = np.triu_indices(21, k=1)  # 210 pairs, matches htriu mask
PIU, PJU = np.triu_indices(25, k=1)  # 300 pairs, matches ptriu mask
LIU, LJU = np.triu_indices(20, k=1)  # 190 pairs, matches ltriu mask


def setup_inputs(seed: int = 0) -> dict:
    key = jax.random.key(seed)
    x = jax.random.normal(key, (16384, 115, 3), dtype=jnp.float32)
    return {"x": x}


def _pairdist(pts, iu, ju):
    # equivalent to ((sqrt(d)+1)*triu filtered to nonzero) - 1 in the torch code
    d = pts[:, iu, :] - pts[:, ju, :]
    return jnp.sqrt((d ** 2).sum(-1))


def reference(x):
    x = jnp.where(jnp.isnan(x), jnp.float32(0.0), x)
    lefth_x = x[:, 40:61, :]
    righth_x = x[:, 94:, :]
    pose_x = x[:, 61:86, :]
    lip_x = x[:, :40, :]
    lefth_sum = (lefth_x != 0).astype(jnp.float32).sum()
    righth_sum = (righth_x != 0).astype(jnp.float32).sum()
    cond = lefth_sum > righth_sum
    h_x = jnp.where(cond, lefth_x, righth_x)
    xfeat = jnp.where(cond,
                      jnp.concatenate([lefth_x, pose_x, lip_x], axis=1),
                      jnp.concatenate([righth_x, pose_x, lip_x], axis=1))
    xfeat_xcoordi = xfeat[:, :, 0]
    xfeat_else = xfeat[:, :, 1:]
    xfeat_xcoordi = jnp.where(cond, -xfeat_xcoordi, xfeat_xcoordi)
    xfeat = jnp.concatenate([xfeat_xcoordi[:, :, None], xfeat_else], axis=-1)
    h_flat = h_x.reshape(h_x.shape[0], -1)
    indices = h_flat.sum(1) != 0
    order = jnp.argsort(jnp.logical_not(indices), stable=True)
    n_kept = indices.sum()
    n_eff = jnp.where(n_kept == 0, xfeat.shape[0], n_kept)
    xfeat = xfeat[order]
    T = xfeat.shape[0]
    dxyz = jnp.concatenate([xfeat[:-1] - xfeat[1:],
                            jnp.zeros((1, xfeat.shape[1], xfeat.shape[2]), dtype=xfeat.dtype)], axis=0)
    row = jnp.arange(T)
    dxyz = jnp.where((row < n_eff - 1)[:, None, None], dxyz, jnp.float32(0.0))
    hand = xfeat[:, :21, :3]
    hdist = _pairdist(hand, HIU, HJU)
    pose = xfeat[:, 21:46, :2]
    pdist = _pairdist(pose, PIU, PJU)
    olip = xfeat[:, 46:66, :2]
    oldist = _pairdist(olip, LIU, LJU)
    ilip = xfeat[:, 66:86, :2]
    ildist = _pairdist(ilip, LIU, LJU)
    out = jnp.concatenate([
        hand.reshape(T, -1),
        pose.reshape(T, -1),
        olip.reshape(T, -1),
        dxyz[:, :21, :3].reshape(T, -1),
        dxyz[:, 21:46, :2].reshape(T, -1),
        dxyz[:, 46:66, :2].reshape(T, -1),
        hdist.reshape(T, -1),
        pdist.reshape(T, -1),
        oldist.reshape(T, -1),
        ildist.reshape(T, -1)], axis=-1)
    return out[:100]

if __name__ == "__main__":
    import jax
    _d = setup_inputs()
    print(jax.jit(kernel)(*tuple(_d.values())))

</pallas_src>

<mosaic_0001>
#map = affine_map<(d0, d1) -> (0)>
module attributes {stable_mosaic.version = 14 : i64} {
  func.func @_compact_body(%arg0: i32, %arg1: i32, %arg2: memref<32768xf32, #tpu.memory_space<hbm>>, %arg3: memref<64xf32, #tpu.memory_space<hbm>>, %arg4: memref<128xi32, #tpu.memory_space<hbm>>, %arg5: memref<16xi32, #tpu.memory_space<hbm>>, %arg6: memref<32xi32, #tpu.memory_space<hbm>>, %arg7: memref<32768xf32, #tpu.memory_space<vmem>>, %arg8: memref<64xf32, #tpu.memory_space<vmem>>, %arg9: memref<16xi32, #tpu.memory_space<vmem>>, %arg10: memref<16xi32, #tpu.memory_space<vmem>>, %arg11: memref<16xi32, #tpu.memory_space<vmem>>, %arg12: memref<16xi32, #tpu.memory_space<vmem>>, %arg13: memref<16xi32, #tpu.memory_space<vmem>>, %arg14: memref<128xi32, #tpu.memory_space<vmem>>, %arg15: memref<16xi32, #tpu.memory_space<vmem>>, %arg16: memref<32xi32, #tpu.memory_space<vmem>>) attributes {dimension_semantics = [#tpu.dimension_semantics<core_parallel>, #tpu.dimension_semantics<subcore_parallel>], iteration_bounds = array<i64: 2, 16>, scalar_prefetch = 0 : i64, scratch_operands = 10 : i64, tpu.core_type = #tpu.core_type<sc_vector_subcore>, window_params = [{transform_indices = #map}, {transform_indices = #map}, {transform_indices = #map}, {transform_indices = #map}, {transform_indices = #map}]} {
    %eq3A = arith.constant 0 : i32
    %eq3A_0 = arith.cmpi eq, %arg0, %eq3A : i32
    %eq3A_1 = arith.constant 0 : i32
    %eq3A_2 = arith.cmpi eq, %arg1, %eq3A_1 : i32
    %and3A = arith.andi %eq3A_0, %eq3A_2 : i1
    %convert_element_type3A = arith.extui %and3A : i1 to i32
    %cond3A = arith.constant 0 : i32
    %cond3A_3 = arith.cmpi ne, %convert_element_type3A, %cond3A : i32
    scf.if %cond3A_3 {
      "tpu.region"() ({
        %run_scoped3A = tpu.sem_alloc : memref<!tpu.dma_semaphore, #tpu.memory_space<semaphore_mem>>
        tpu.enqueue_dma source(%arg2 : memref<32768xf32, #tpu.memory_space<hbm>>) target(%arg7 : memref<32768xf32, #tpu.memory_space<vmem>>) target_semaphore(%run_scoped3A : memref<!tpu.dma_semaphore, #tpu.memory_space<semaphore_mem>>)
        tpu.wait_dma2 semaphore(%run_scoped3A : memref<!tpu.dma_semaphore, #tpu.memory_space<semaphore_mem>>) src(%arg2 : memref<32768xf32, #tpu.memory_space<hbm>>) dst(%arg7 : memref<32768xf32, #tpu.memory_space<vmem>>)
        tpu.yield
      }) : () -> ()
      "tpu.region"() ({
        %run_scoped3A = tpu.sem_alloc : memref<!tpu.dma_semaphore, #tpu.memory_space<semaphore_mem>>
        tpu.enqueue_dma source(%arg3 : memref<64xf32, #tpu.memory_space<hbm>>) target(%arg8 : memref<64xf32, #tpu.memory_space<vmem>>) target_semaphore(%run_scoped3A : memref<!tpu.dma_semaphore, #tpu.memory_space<semaphore_mem>>)
        tpu.wait_dma2 semaphore(%run_scoped3A : memref<!tpu.dma_semaphore, #tpu.memory_space<semaphore_mem>>) src(%arg3 : memref<64xf32, #tpu.memory_space<hbm>>) dst(%arg8 : memref<64xf32, #tpu.memory_space<vmem>>)
        tpu.yield
      }) : () -> ()
      %iota3A = tpu.iota {dimensions = array<i32: 0>} : vector<16xi32>
      %get3A = arith.constant 0 : index
      %get3A_4 = tpu.vector_load %arg8[%get3A] {strides = array<i32>} : memref<64xf32, #tpu.memory_space<vmem>>, vector<16xf32>,
      %get3A_5 = arith.constant 16 : index
      %get3A_6 = tpu.vector_load %arg8[%get3A_5] {strides = array<i32>} : memref<64xf32, #tpu.memory_space<vmem>>, vector<16xf32>,
      %gt3A = arith.cmpf ogt, %get3A_4, %get3A_6 : vector<16xf32>
      %get3A_7 = arith.constant 32 : index
      %get3A_8 = tpu.vector_load %arg8[%get3A_7] {strides = array<i32>} : memref<64xf32, #tpu.memory_space<vmem>>, vector<16xf32>,
      %get3A_9 = arith.constant 48 : index
      %get3A_10 = tpu.vector_load %arg8[%get3A_9] {strides = array<i32>} : memref<64xf32, #tpu.memory_space<vmem>>, vector<16xf32>,
      %select_n3A = arith.select %gt3A, %get3A_8, %get3A_10 : vector<16xi1>, vector<16xf32>
      %convert_element_type3A_11 = arith.fptosi %select_n3A : vector<16xf32> to vector<16xi32>
      %eq3A_12 = arith.constant 0 : i32
      %eq3A_13 = vector.broadcast %eq3A_12 : i32 to vector<16xi32>
      %eq3A_14 = arith.cmpi eq, %convert_element_type3A_11, %eq3A_13 : vector<16xi32>
      %jit3A = arith.constant 16384 : i32
      %broadcast_in_dim3A = vector.broadcast %jit3A : i32 to vector<16xi32>
      %select_n3A_15 = arith.select %eq3A_14, %broadcast_in_dim3A, %convert_element_type3A_11 : vector<16xi1>, vector<16xi32>
      %convert_element_type3A_16 = arith.extui %gt3A : vector<16xi1> to vector<16xi32>
      %swap3A = arith.constant 0 : index
      %swap3A_17 = tpu.vector_load %arg10[%swap3A] {strides = array<i32>} : memref<16xi32, #tpu.memory_space<vmem>>, vector<16xi32>,
      tpu.vector_store %arg10[%swap3A], %convert_element_type3A_16 {strides = array<i32>} : memref<16xi32, #tpu.memory_space<vmem>>, vector<16xi32>,
      %swap3A_18 = arith.constant 0 : index
      %swap3A_19 = tpu.vector_load %arg11[%swap3A_18] {strides = array<i32>} : memref<16xi32, #tpu.memory_space<vmem>>, vector<16xi32>,
      tpu.vector_store %arg11[%swap3A_18], %convert_element_type3A_11 {strides = array<i32>} : memref<16xi32, #tpu.memory_space<vmem>>, vector<16xi32>,
      %swap3A_20 = arith.constant 0 : index
      %swap3A_21 = tpu.vector_load %arg12[%swap3A_20] {strides = array<i32>} : memref<16xi32, #tpu.memory_space<vmem>>, vector<16xi32>,
      tpu.vector_store %arg12[%swap3A_20], %iota3A {strides = array<i32>} : memref<16xi32, #tpu.memory_space<vmem>>, vector<16xi32>,
      %broadcast_in_dim3A_22 = arith.constant 0 : i32
      %broadcast_in_dim3A_23 = vector.broadcast %broadcast_in_dim3A_22 : i32 to vector<16xi32>
      %swap3A_24 = arith.constant 0 : index
      %swap3A_25 = tpu.vector_load %arg13[%swap3A_24] {strides = array<i32>} : memref<16xi32, #tpu.memory_space<vmem>>, vector<16xi32>,
      tpu.vector_store %arg13[%swap3A_24], %broadcast_in_dim3A_23 {strides = array<i32>} : memref<16xi32, #tpu.memory_space<vmem>>, vector<16xi32>,
      %broadcast_in_dim3A_26 = arith.constant 0 : i32
      %broadcast_in_dim3A_27 = vector.broadcast %broadcast_in_dim3A_26 : i32 to vector<16xi32>
      %swap3A_28 = arith.constant 0 : index
      %swap3A_29 = tpu.vector_load %arg14[%swap3A_28] {strides = array<i32>} : memref<128xi32, #tpu.memory_space<vmem>>, vector<16xi32>,
      tpu.vector_store %arg14[%swap3A_28], %broadcast_in_dim3A_27 {strides = array<i32>} : memref<128xi32, #tpu.memory_space<vmem>>, vector<16xi32>,
      %broadcast_in_dim3A_30 = arith.constant 0 : i32
      %broadcast_in_dim3A_31 = vector.broadcast %broadcast_in_dim3A_30 : i32 to vector<16xi32>
      %swap3A_32 = arith.constant 16 : index
      %swap3A_33 = tpu.vector_load %arg14[%swap3A_32] {strides = array<i32>} : memref<128xi32, #tpu.memory_space<vmem>>, vector<16xi32>,
      tpu.vector_store %arg14[%swap3A_32], %broadcast_in_dim3A_31 {strides = array<i32>} : memref<128xi32, #tpu.memory_space<vmem>>, vector<16xi32>,
      %broadcast_in_dim3A_34 = arith.constant 0 : i32
      %broadcast_in_dim3A_35 = vector.broadcast %broadcast_in_dim3A_34 : i32 to vector<16xi32>
      %swap3A_36 = arith.constant 32 : index
      %swap3A_37 = tpu.vector_load %arg14[%swap3A_36] {strides = array<i32>} : memref<128xi32, #tpu.memory_space<vmem>>, vector<16xi32>,
      tpu.vector_store %arg14[%swap3A_36], %broadcast_in_dim3A_35 {strides = array<i32>} : memref<128xi32, #tpu.memory_space<vmem>>, vector<16xi32>,
      %broadcast_in_dim3A_38 = arith.constant 0 : i32
      %broadcast_in_dim3A_39 = vector.broadcast %broadcast_in_dim3A_38 : i32 to vector<16xi32>
      %swap3A_40 = arith.constant 48 : index
      %swap3A_41 = tpu.vector_load %arg14[%swap3A_40] {strides = array<i32>} : memref<128xi32, #tpu.memory_space<vmem>>, vector<16xi32>,
      tpu.vector_store %arg14[%swap3A_40], %broadcast_in_dim3A_39 {strides = array<i32>} : memref<128xi32, #tpu.memory_space<vmem>>, vector<16xi32>,
      %broadcast_in_dim3A_42 = arith.constant 0 : i32
      %broadcast_in_dim3A_43 = vector.broadcast %broadcast_in_dim3A_42 : i32 to vector<16xi32>
      %swap3A_44 = arith.constant 64 : index
      %swap3A_45 = tpu.vector_load %arg14[%swap3A_44] {strides = array<i32>} : memref<128xi32, #tpu.memory_space<vmem>>, vector<16xi32>,
      tpu.vector_store %arg14[%swap3A_44], %broadcast_in_dim3A_43 {strides = array<i32>} : memref<128xi32, #tpu.memory_space<vmem>>, vector<16xi32>,
      %broadcast_in_dim3A_46 = arith.constant 0 : i32
      %broadcast_in_dim3A_47 = vector.broadcast %broadcast_in_dim3A_46 : i32 to vector<16xi32>
      %swap3A_48 = arith.constant 80 : index
      %swap3A_49 = tpu.vector_load %arg14[%swap3A_48] {strides = array<i32>} : memref<128xi32, #tpu.memory_space<vmem>>, vector<16xi32>,
      tpu.vector_store %arg14[%swap3A_48], %broadcast_in_dim3A_47 {strides = array<i32>} : memref<128xi32, #tpu.memory_space<vmem>>, vector<16xi32>,
      %broadcast_in_dim3A_50 = arith.constant 0 : i32
      %broadcast_in_dim3A_51 = vector.broadcast %broadcast_in_dim3A_50 : i32 to vector<16xi32>
      %swap3A_52 = arith.constant 96 : index
      %swap3A_53 = tpu.vector_load %arg14[%swap3A_52] {strides = array<i32>} : memref<128xi32, #tpu.memory_space<vmem>>, vector<16xi32>,
      tpu.vector_store %arg14[%swap3A_52], %broadcast_in_dim3A_51 {strides = array<i32>} : memref<128xi32, #tpu.memory_space<vmem>>, vector<16xi32>,
      %broadcast_in_dim3A_54 = arith.constant 0 : i32
      %broadcast_in_dim3A_55 = vector.broadcast %broadcast_in_dim3A_54 : i32 to vector<16xi32>
      %swap3A_56 = arith.constant 112 : index
      %swap3A_57 = tpu.vector_load %arg14[%swap3A_56] {strides = array<i32>} : memref<128xi32, #tpu.memory_space<vmem>>, vector<16xi32>,
      tpu.vector_store %arg14[%swap3A_56], %broadcast_in_dim3A_55 {strides = array<i32>} : memref<128xi32, #tpu.memory_space<vmem>>, vector<16xi32>,
      %slice3A = vector.extract_strided_slice %convert_element_type3A_11 {offsets = [0], sizes = [1], strides = [1]} : vector<16xi32> to vector<1xi32>
      %squeeze3A = vector.extract %slice3A[0] : i32 from vector<1xi32>
      %while3A = arith.constant 0 : i32
      %while3A_58 = arith.constant 0 : i32
      %while3A_59:2 = scf.while (%while3A_117 = %while3A, %while3A_118 = %while3A_58) : (i32, i32) -> (i32, i32) {
        %mul3A = arith.constant 16 : i32
        %mul3A_119 = arith.muli %while3A_117, %mul3A : i32
        %sub3A = arith.subi %mul3A_119, %while3A_118 : i32
        %min3A = arith.constant 128 : i32
        %min3A_120 = arith.minsi %squeeze3A, %min3A : i32
        %ge3A = arith.cmpi sge, %while3A_118, %min3A_120 : i32
        %ge3A_121 = arith.constant 128 : i32
        %ge3A_122 = arith.cmpi sge, %squeeze3A, %ge3A_121 : i32
        %sub3A_123 = arith.constant 128 : i32
        %sub3A_124 = arith.subi %sub3A_123, %squeeze3A : i32
        %ge3A_125 = arith.cmpi sge, %sub3A, %sub3A_124 : i32
        %or3A = arith.ori %ge3A_122, %ge3A_125 : i1
        %and3A_126 = arith.andi %ge3A, %or3A : i1
        %lt3A = arith.constant 1024 : i32
        %lt3A_127 = arith.cmpi slt, %while3A_117, %lt3A : i32
        %not3A = arith.constant true
        %not3A_128 = arith.xori %and3A_126, %not3A : i1
        %and3A_129 = arith.andi %lt3A_127, %not3A_128 : i1
        scf.condition(%and3A_129) %while3A_117, %while3A_118 : i32, i32
      } do {
      ^bb0(%while3A_117: i32, %while3A_118: i32):
        %iota3A_119 = tpu.iota {dimensions = array<i32: 0>} : vector<16xi32>
        %get3A_120 = arith.constant 0 : index
        %get3A_121 = tpu.vector_load %arg10[%get3A_120] {strides = array<i32>} : memref<16xi32, #tpu.memory_space<vmem>>, vector<16xi32>,
        %ne3A = arith.constant 0 : i32
        %ne3A_122 = vector.broadcast %ne3A : i32 to vector<16xi32>
        %ne3A_123 = arith.cmpi ne, %get3A_121, %ne3A_122 : vector<16xi32>
        %get3A_124 = arith.constant 0 : index
        %get3A_125 = tpu.vector_load %arg11[%get3A_124] {strides = array<i32>} : memref<16xi32, #tpu.memory_space<vmem>>, vector<16xi32>,
        %get3A_126 = arith.constant 0 : index
        %get3A_127 = tpu.vector_load %arg12[%get3A_126] {strides = array<i32>} : memref<16xi32, #tpu.memory_space<vmem>>, vector<16xi32>,
        %get3A_128 = arith.constant 0 : index
        %get3A_129 = tpu.vector_load %arg13[%get3A_128] {strides = array<i32>} : memref<16xi32, #tpu.memory_space<vmem>>, vector<16xi32>,
        %mul3A = arith.constant 16 : i32
        %mul3A_130 = arith.muli %while3A_117, %mul3A : i32
        %get3A_131 = arith.index_cast %mul3A_130 : i32 to index
        %get3A_132 = tpu.vector_load %arg7[%get3A_131] {strides = array<i32>} : memref<32768xf32, #tpu.memory_space<vmem>>, vector<16xf32>,
        %mul3A_133 = arith.constant 16 : i32
        %mul3A_134 = arith.muli %while3A_117, %mul3A_133 : i32
        %add3A = arith.constant 16384 : i32
        %add3A_135 = arith.addi %add3A, %mul3A_134 : i32
        %get3A_136 = arith.index_cast %add3A_135 : i32 to index
        %get3A_137 = tpu.vector_load %arg7[%get3A_136] {strides = array<i32>} : memref<32768xf32, #tpu.memory_space<vmem>>, vector<16xf32>,
        %select_n3A_138 = arith.select %ne3A_123, %get3A_132, %get3A_137 : vector<16xi1>, vector<16xf32>
        %ne3A_139 = arith.constant 0.000000e+00 : f32
        %ne3A_140 = vector.broadcast %ne3A_139 : f32 to vector<16xf32>
        %ne3A_141 = arith.cmpf one, %select_n3A_138, %ne3A_140 : vector<16xf32>
        %convert_element_type3A_142 = arith.extui %ne3A_141 : vector<16xi1> to vector<16xi32>
        %swap3A_143 = arith.constant 0 : index
        %swap3A_144 = tpu.vector_load %arg9[%swap3A_143] {strides = array<i32>} : memref<16xi32, #tpu.memory_space<vmem>>, vector<16xi32>,
        tpu.vector_store %arg9[%swap3A_143], %convert_element_type3A_142 {strides = array<i32>} : memref<16xi32, #tpu.memory_space<vmem>>, vector<16xi32>,
        %sub3A = arith.constant 1 : i32
        %sub3A_145 = vector.broadcast %sub3A : i32 to vector<16xi32>
        %sub3A_146 = arith.subi %iota3A_119, %sub3A_145 : vector<16xi32>
        %max3A = arith.constant 0 : i32
        %max3A_147 = vector.broadcast %max3A : i32 to vector<16xi32>
        %max3A_148 = arith.maxsi %sub3A_146, %max3A_147 : vector<16xi32>
        %ge3A = arith.constant 1 : i32
        %ge3A_149 = vector.broadcast %ge3A : i32 to vector<16xi32>
        %ge3A_150 = arith.cmpi sge, %iota3A_119, %ge3A_149 : vector<16xi32>
        %gather3A = tpu.vector_load_idx %arg9[%max3A_148] masked %ge3A_150 : memref<16xi32, #tpu.memory_space<vmem>>[vector<16xi32>], vector<16xi32>, vector<16xi1>
        %ge3A_151 = arith.constant 1 : i32
        %ge3A_152 = vector.broadcast %ge3A_151 : i32 to vector<16xi32>
        %ge3A_153 = arith.cmpi sge, %iota3A_119, %ge3A_152 : vector<16xi32>
        %jit3A_154 = arith.constant 0 : i32
        %broadcast_in_dim3A_155 = vector.broadcast %jit3A_154 : i32 to vector<16xi32>
        %select_n3A_156 = arith.select %ge3A_153, %gather3A, %broadcast_in_dim3A_155 : vector<16xi1>, vector<16xi32>
        %add3A_157 = arith.addi %convert_element_type3A_142, %select_n3A_156 : vector<16xi32>
        %swap3A_158 = arith.constant 0 : index
        %swap3A_159 = tpu.vector_load %arg9[%swap3A_158] {strides = array<i32>} : memref<16xi32, #tpu.memory_space<vmem>>, vector<16xi32>,
        tpu.vector_store %arg9[%swap3A_158], %add3A_157 {strides = array<i32>} : memref<16xi32, #tpu.memory_space<vmem>>, vector<16xi32>,
        %sub3A_160 = arith.constant 2 : i32
        %sub3A_161 = vector.broadcast %sub3A_160 : i32 to vector<16xi32>
        %sub3A_162 = arith.subi %iota3A_119, %sub3A_161 : vector<16xi32>
        %max3A_163 = arith.constant 0 : i32
        %max3A_164 = vector.broadcast %max3A_163 : i32 to vector<16xi32>
        %max3A_165 = arith.maxsi %sub3A_162, %max3A_164 : vector<16xi32>
        %ge3A_166 = arith.constant 2 : i32
        %ge3A_167 = vector.broadcast %ge3A_166 : i32 to vector<16xi32>
        %ge3A_168 = arith.cmpi sge, %iota3A_119, %ge3A_167 : vector<16xi32>
        %gather3A_169 = tpu.vector_load_idx %arg9[%max3A_165] masked %ge3A_168 : memref<16xi32, #tpu.memory_space<vmem>>[vector<16xi32>], vector<16xi32>, vector<16xi1>
        %ge3A_170 = arith.constant 2 : i32
        %ge3A_171 = vector.broadcast %ge3A_170 : i32 to vector<16xi32>
        %ge3A_172 = arith.cmpi sge, %iota3A_119, %ge3A_171 : vector<16xi32>
        %jit3A_173 = arith.constant 0 : i32
        %broadcast_in_dim3A_174 = vector.broadcast %jit3A_173 : i32 to vector<16xi32>
        %select_n3A_175 = arith.select %ge3A_172, %gather3A_169, %broadcast_in_dim3A_174 : vector<16xi1>, vector<16xi32>
        %add3A_176 = arith.addi %add3A_157, %select_n3A_175 : vector<16xi32>
        %swap3A_177 = arith.constant 0 : index
        %swap3A_178 = tpu.vector_load %arg9[%swap3A_177] {strides = array<i32>} : memref<16xi32, #tpu.memory_space<vmem>>, vector<16xi32>,
        tpu.vector_store %arg9[%swap3A_177], %add3A_176 {strides = array<i32>} : memref<16xi32, #tpu.memory_space<vmem>>, vector<16xi32>,
        %sub3A_179 = arith.constant 4 : i32
        %sub3A_180 = vector.broadcast %sub3A_179 : i32 to vector<16xi32>
        %sub3A_181 = arith.subi %iota3A_119, %sub3A_180 : vector<16xi32>
        %max3A_182 = arith.constant 0 : i32
        %max3A_183 = vector.broadcast %max3A_182 : i32 to vector<16xi32>
        %max3A_184 = arith.maxsi %sub3A_181, %max3A_183 : vector<16xi32>
        %ge3A_185 = arith.constant 4 : i32
        %ge3A_186 = vector.broadcast %ge3A_185 : i32 to vector<16xi32>
        %ge3A_187 = arith.cmpi sge, %iota3A_119, %ge3A_186 : vector<16xi32>
        %gather3A_188 = tpu.vector_load_idx %arg9[%max3A_184] masked %ge3A_187 : memref<16xi32, #tpu.memory_space<vmem>>[vector<16xi32>], vector<16xi32>, vector<16xi1>
        %ge3A_189 = arith.constant 4 : i32
        %ge3A_190 = vector.broadcast %ge3A_189 : i32 to vector<16xi32>
        %ge3A_191 = arith.cmpi sge, %iota3A_119, %ge3A_190 : vector<16xi32>
        %jit3A_192 = arith.constant 0 : i32
        %broadcast_in_dim3A_193 = vector.broadcast %jit3A_192 : i32 to vector<16xi32>
        %select_n3A_194 = arith.select %ge3A_191, %gather3A_188, %broadcast_in_dim3A_193 : vector<16xi1>, vector<16xi32>
        %add3A_195 = arith.addi %add3A_176, %select_n3A_194 : vector<16xi32>
        %swap3A_196 = arith.constant 0 : index
        %swap3A_197 = tpu.vector_load %arg9[%swap3A_196] {strides = array<i32>} : memref<16xi32, #tpu.memory_space<vmem>>, vector<16xi32>,
        tpu.vector_store %arg9[%swap3A_196], %add3A_195 {strides = array<i32>} : memref<16xi32, #tpu.memory_space<vmem>>, vector<16xi32>,
        %sub3A_198 = arith.constant 8 : i32
        %sub3A_199 = vector.broadcast %sub3A_198 : i32 to vector<16xi32>
        %sub3A_200 = arith.subi %iota3A_119, %sub3A_199 : vector<16xi32>
        %max3A_201 = arith.constant 0 : i32
        %max3A_202 = vector.broadcast %max3A_201 : i32 to vector<16xi32>
        %max3A_203 = arith.maxsi %sub3A_200, %max3A_202 : vector<16xi32>
        %ge3A_204 = arith.constant 8 : i32
        %ge3A_205 = vector.broadcast %ge3A_204 : i32 to vector<16xi32>
        %ge3A_206 = arith.cmpi sge, %iota3A_119, %ge3A_205 : vector<16xi32>
        %gather3A_207 = tpu.vector_load_idx %arg9[%max3A_203] masked %ge3A_206 : memref<16xi32, #tpu.memory_space<vmem>>[vector<16xi32>], vector<16xi32>, vector<16xi1>
        %ge3A_208 = arith.constant 8 : i32
        %ge3A_209 = vector.broadcast %ge3A_208 : i32 to vector<16xi32>
        %ge3A_210 = arith.cmpi sge, %iota3A_119, %ge3A_209 : vector<16xi32>
        %jit3A_211 = arith.constant 0 : i32
        %broadcast_in_dim3A_212 = vector.broadcast %jit3A_211 : i32 to vector<16xi32>
        %select_n3A_213 = arith.select %ge3A_210, %gather3A_207, %broadcast_in_dim3A_212 : vector<16xi1>, vector<16xi32>
        %add3A_214 = arith.addi %add3A_195, %select_n3A_213 : vector<16xi32>
        %add3A_215 = arith.addi %get3A_129, %add3A_214 : vector<16xi32>
        %sub3A_216 = arith.constant 1 : i32
        %sub3A_217 = vector.broadcast %sub3A_216 : i32 to vector<16xi32>
        %sub3A_218 = arith.subi %add3A_215, %sub3A_217 : vector<16xi32>
        %add3A_219 = arith.addi %get3A_125, %get3A_127 : vector<16xi32>
        %sub3A_220 = arith.subi %add3A_219, %add3A_215 : vector<16xi32>
        %select_n3A_221 = arith.select %ne3A_141, %sub3A_218, %sub3A_220 : vector<16xi1>, vector<16xi32>
        %lt3A = arith.constant 128 : i32
        %lt3A_222 = vector.broadcast %lt3A : i32 to vector<16xi32>
        %lt3A_223 = arith.cmpi slt, %select_n3A_221, %lt3A_222 : vector<16xi32>
        tpu.vector_store_idx %arg14[%select_n3A_221], %get3A_127 masked %lt3A_223 : memref<128xi32, #tpu.memory_space<vmem>>[vector<16xi32>], vector<16xi32>, vector<16xi1>
        %swap3A_224 = arith.constant 0 : index
        %swap3A_225 = tpu.vector_load %arg9[%swap3A_224] {strides = array<i32>} : memref<16xi32, #tpu.memory_space<vmem>>, vector<16xi32>,
        tpu.vector_store %arg9[%swap3A_224], %add3A_215 {strides = array<i32>} : memref<16xi32, #tpu.memory_space<vmem>>, vector<16xi32>,
        %broadcast_in_dim3A_226 = arith.constant 15 : i32
        %broadcast_in_dim3A_227 = vector.broadcast %broadcast_in_dim3A_226 : i32 to vector<16xi32>
        %gather3A_228 = tpu.vector_load_idx %arg9[%broadcast_in_dim3A_227] : memref<16xi32, #tpu.memory_space<vmem>>[vector<16xi32>], vector<16xi32>,
        %swap3A_229 = arith.constant 0 : index
        %swap3A_230 = tpu.vector_load %arg13[%swap3A_229] {strides = array<i32>} : memref<16xi32, #tpu.memory_space<vmem>>, vector<16xi32>,
        tpu.vector_store %arg13[%swap3A_229], %gather3A_228 {strides = array<i32>} : memref<16xi32, #tpu.memory_space<vmem>>, vector<16xi32>,
        %add3A_231 = arith.constant 16 : i32
        %add3A_232 = vector.broadcast %add3A_231 : i32 to vector<16xi32>
        %add3A_233 = arith.addi %get3A_127, %add3A_232 : vector<16xi32>
        %swap3A_234 = arith.constant 0 : index
        %swap3A_235 = tpu.vector_load %arg12[%swap3A_234] {strides = array<i32>} : memref<16xi32, #tpu.memory_space<vmem>>, vector<16xi32>,
        tpu.vector_store %arg12[%swap3A_234], %add3A_233 {strides = array<i32>} : memref<16xi32, #tpu.memory_space<vmem>>, vector<16xi32>,
        %add3A_236 = arith.constant 1 : i32
        %add3A_237 = arith.addi %while3A_117, %add3A_236 : i32
        %slice3A_238 = vector.extract_strided_slice %add3A_215 {offsets = [15], sizes = [1], strides = [1]} : vector<16xi32> to vector<1xi32>
        %squeeze3A_239 = vector.extract %slice3A_238[0] : i32 from vector<1xi32>
        scf.yield %add3A_237, %squeeze3A_239 : i32, i32
      }
      %eq3A_60 = arith.constant 0 : i32
      %eq3A_61 = vector.broadcast %eq3A_60 : i32 to vector<16xi32>
      %eq3A_62 = arith.cmpi eq, %iota3A, %eq3A_61 : vector<16xi32>
      %jit3A_63 = arith.constant 0 : i32
      %broadcast_in_dim3A_64 = vector.broadcast %jit3A_63 : i32 to vector<16xi32>
      %select_n3A_65 = arith.select %eq3A_62, %select_n3A_15, %broadcast_in_dim3A_64 : vector<16xi1>, vector<16xi32>
      %swap3A_66 = arith.constant 0 : index
      %swap3A_67 = tpu.vector_load %arg15[%swap3A_66] {strides = array<i32>} : memref<16xi32, #tpu.memory_space<vmem>>, vector<16xi32>,
      tpu.vector_store %arg15[%swap3A_66], %select_n3A_65 {strides = array<i32>} : memref<16xi32, #tpu.memory_space<vmem>>, vector<16xi32>,
      %broadcast_in_dim3A_68 = arith.constant 0 : i32
      %broadcast_in_dim3A_69 = vector.broadcast %broadcast_in_dim3A_68 : i32 to vector<16xi32>
      %swap3A_70 = arith.constant 0 : index
      %swap3A_71 = tpu.vector_load %arg16[%swap3A_70] {strides = array<i32>} : memref<32xi32, #tpu.memory_space<vmem>>, vector<16xi32>,
      tpu.vector_store %arg16[%swap3A_70], %broadcast_in_dim3A_69 {strides = array<i32>} : memref<32xi32, #tpu.memory_space<vmem>>, vector<16xi32>,
      %broadcast_in_dim3A_72 = arith.constant 0 : i32
      %broadcast_in_dim3A_73 = vector.broadcast %broadcast_in_dim3A_72 : i32 to vector<16xi32>
      %swap3A_74 = arith.constant 16 : index
      %swap3A_75 = tpu.vector_load %arg16[%swap3A_74] {strides = array<i32>} : memref<32xi32, #tpu.memory_space<vmem>>, vector<16xi32>,
      tpu.vector_store %arg16[%swap3A_74], %broadcast_in_dim3A_73 {strides = array<i32>} : memref<32xi32, #tpu.memory_space<vmem>>, vector<16xi32>,
      %broadcast_in_dim3A_76 = arith.constant 1 : i32
      %broadcast_in_dim3A_77 = vector.broadcast %broadcast_in_dim3A_76 : i32 to vector<16xi32>
      %get3A_78 = arith.constant 0 : index
      %get3A_79 = tpu.vector_load %arg14[%get3A_78] {strides = array<i32>} : memref<128xi32, #tpu.memory_space<vmem>>, vector<16xi32>,
      %shift_right_logical3A = arith.constant 9 : i32
      %shift_right_logical3A_80 = vector.broadcast %shift_right_logical3A : i32 to vector<16xi32>
      %shift_right_logical3A_81 = arith.shrui %get3A_79, %shift_right_logical3A_80 : vector<16xi32>
      tpu.vector_store_idx %arg16[%shift_right_logical3A_81], %broadcast_in_dim3A_77 : memref<32xi32, #tpu.memory_space<vmem>>[vector<16xi32>], vector<16xi32>,
      %get3A_82 = arith.constant 16 : index
      %get3A_83 = tpu.vector_load %arg14[%get3A_82] {strides = array<i32>} : memref<128xi32, #tpu.memory_space<vmem>>, vector<16xi32>,
      %shift_right_logical3A_84 = arith.constant 9 : i32
      %shift_right_logical3A_85 = vector.broadcast %shift_right_logical3A_84 : i32 to vector<16xi32>
      %shift_right_logical3A_86 = arith.shrui %get3A_83, %shift_right_logical3A_85 : vector<16xi32>
      tpu.vector_store_idx %arg16[%shift_right_logical3A_86], %broadcast_in_dim3A_77 : memref<32xi32, #tpu.memory_space<vmem>>[vector<16xi32>], vector<16xi32>,
      %get3A_87 = arith.constant 32 : index
      %get3A_88 = tpu.vector_load %arg14[%get3A_87] {strides = array<i32>} : memref<128xi32, #tpu.memory_space<vmem>>, vector<16xi32>,
      %shift_right_logical3A_89 = arith.constant 9 : i32
      %shift_right_logical3A_90 = vector.broadcast %shift_right_logical3A_89 : i32 to vector<16xi32>
      %shift_right_logical3A_91 = arith.shrui %get3A_88, %shift_right_logical3A_90 : vector<16xi32>
      tpu.vector_store_idx %arg16[%shift_right_logical3A_91], %broadcast_in_dim3A_77 : memref<32xi32, #tpu.memory_space<vmem>>[vector<16xi32>], vector<16xi32>,
      %get3A_92 = arith.constant 48 : index
      %get3A_93 = tpu.vector_load %arg14[%get3A_92] {strides = array<i32>} : memref<128xi32, #tpu.memory_space<vmem>>, vector<16xi32>,
      %shift_right_logical3A_94 = arith.constant 9 : i32
      %shift_right_logical3A_95 = vector.broadcast %shift_right_logical3A_94 : i32 to vector<16xi32>
      %shift_right_logical3A_96 = arith.shrui %get3A_93, %shift_right_logical3A_95 : vector<16xi32>
      tpu.vector_store_idx %arg16[%shift_right_logical3A_96], %broadcast_in_dim3A_77 : memref<32xi32, #tpu.memory_space<vmem>>[vector<16xi32>], vector<16xi32>,
      %get3A_97 = arith.constant 64 : index
      %get3A_98 = tpu.vector_load %arg14[%get3A_97] {strides = array<i32>} : memref<128xi32, #tpu.memory_space<vmem>>, vector<16xi32>,
      %shift_right_logical3A_99 = arith.constant 9 : i32
      %shift_right_logical3A_100 = vector.broadcast %shift_right_logical3A_99 : i32 to vector<16xi32>
      %shift_right_logical3A_101 = arith.shrui %get3A_98, %shift_right_logical3A_100 : vector<16xi32>
      tpu.vector_store_idx %arg16[%shift_right_logical3A_101], %broadcast_in_dim3A_77 : memref<32xi32, #tpu.memory_space<vmem>>[vector<16xi32>], vector<16xi32>,
      %get3A_102 = arith.constant 80 : index
      %get3A_103 = tpu.vector_load %arg14[%get3A_102] {strides = array<i32>} : memref<128xi32, #tpu.memory_space<vmem>>, vector<16xi32>,
      %shift_right_logical3A_104 = arith.constant 9 : i32
      %shift_right_logical3A_105 = vector.broadcast %shift_right_logical3A_104 : i32 to vector<16xi32>
      %shift_right_logical3A_106 = arith.shrui %get3A_103, %shift_right_logical3A_105 : vector<16xi32>
      tpu.vector_store_idx %arg16[%shift_right_logical3A_106], %broadcast_in_dim3A_77 : memref<32xi32, #tpu.memory_space<vmem>>[vector<16xi32>], vector<16xi32>,
      %get3A_107 = arith.constant 96 : index
      %get3A_108 = tpu.vector_load %arg14[%get3A_107] {strides = array<i32>} : memref<128xi32, #tpu.memory_space<vmem>>, vector<16xi32>,
      %shift_right_logical3A_109 = arith.constant 9 : i32
      %shift_right_logical3A_110 = vector.broadcast %shift_right_logical3A_109 : i32 to vector<16xi32>
      %shift_right_logical3A_111 = arith.shrui %get3A_108, %shift_right_logical3A_110 : vector<16xi32>
      tpu.vector_store_idx %arg16[%shift_right_logical3A_111], %broadcast_in_dim3A_77 : memref<32xi32, #tpu.memory_space<vmem>>[vector<16xi32>], vector<16xi32>,
      %get3A_112 = arith.constant 112 : index
      %get3A_113 = tpu.vector_load %arg14[%get3A_112] {strides = array<i32>} : memref<128xi32, #tpu.memory_space<vmem>>, vector<16xi32>,
      %shift_right_logical3A_114 = arith.constant 9 : i32
      %shift_right_logical3A_115 = vector.broadcast %shift_right_logical3A_114 : i32 to vector<16xi32>
      %shift_right_logical3A_116 = arith.shrui %get3A_113, %shift_right_logical3A_115 : vector<16xi32>
      tpu.vector_store_idx %arg16[%shift_right_logical3A_116], %broadcast_in_dim3A_77 : memref<32xi32, #tpu.memory_space<vmem>>[vector<16xi32>], vector<16xi32>,
      "tpu.region"() ({
        %run_scoped3A = tpu.sem_alloc : memref<!tpu.dma_semaphore, #tpu.memory_space<semaphore_mem>>
        tpu.enqueue_dma source(%arg14 : memref<128xi32, #tpu.memory_space<vmem>>) target(%arg4 : memref<128xi32, #tpu.memory_space<hbm>>) target_semaphore(%run_scoped3A : memref<!tpu.dma_semaphore, #tpu.memory_space<semaphore_mem>>)
        tpu.wait_dma2 semaphore(%run_scoped3A : memref<!tpu.dma_semaphore, #tpu.memory_space<semaphore_mem>>) src(%arg14 : memref<128xi32, #tpu.memory_space<vmem>>) dst(%arg4 : memref<128xi32, #tpu.memory_space<hbm>>)
        tpu.yield
      }) : () -> ()
      "tpu.region"() ({
        %run_scoped3A = tpu.sem_alloc : memref<!tpu.dma_semaphore, #tpu.memory_space<semaphore_mem>>
        tpu.enqueue_dma source(%arg15 : memref<16xi32, #tpu.memory_space<vmem>>) target(%arg5 : memref<16xi32, #tpu.memory_space<hbm>>) target_semaphore(%run_scoped3A : memref<!tpu.dma_semaphore, #tpu.memory_space<semaphore_mem>>)
        tpu.wait_dma2 semaphore(%run_scoped3A : memref<!tpu.dma_semaphore, #tpu.memory_space<semaphore_mem>>) src(%arg15 : memref<16xi32, #tpu.memory_space<vmem>>) dst(%arg5 : memref<16xi32, #tpu.memory_space<hbm>>)
        tpu.yield
      }) : () -> ()
      "tpu.region"() ({
        %run_scoped3A = tpu.sem_alloc : memref<!tpu.dma_semaphore, #tpu.memory_space<semaphore_mem>>
        tpu.enqueue_dma source(%arg16 : memref<32xi32, #tpu.memory_space<vmem>>) target(%arg6 : memref<32xi32, #tpu.memory_space<hbm>>) target_semaphore(%run_scoped3A : memref<!tpu.dma_semaphore, #tpu.memory_space<semaphore_mem>>)
        tpu.wait_dma2 semaphore(%run_scoped3A : memref<!tpu.dma_semaphore, #tpu.memory_space<semaphore_mem>>) src(%arg16 : memref<32xi32, #tpu.memory_space<vmem>>) dst(%arg6 : memref<32xi32, #tpu.memory_space<hbm>>)
        tpu.yield
      }) : () -> ()
    } else {
    }
    return
  }
}

module attributes {stable_mosaic.version = 14 : i64} {
  func.func @_scan_body(%arg0: i32, %arg1: memref<345x512xf32, #tpu.memory_space<vmem>>, %arg2: memref<2x345xf32, #tpu.memory_space<vmem>>, %arg3: memref<2x512xf32, #tpu.memory_space<vmem>>, %arg4: memref<4x16xf32, #tpu.memory_space<vmem>>) attributes {dimension_semantics = [#tpu.dimension_semantics<arbitrary>], iteration_bounds = array<i64: 32>, scalar_prefetch = 0 : i64, scratch_operands = 0 : i64, tpu.core_type = #tpu.core_type<tc>, window_params = [{transform_indices = @transform_0, window_bounds = array<i64: 345, 512>}, {pipeline_mode = #tpu.pipeline_mode<synchronous>, transform_indices = @transform_1, window_bounds = array<i64: 2, 345>}, {transform_indices = @transform_2, window_bounds = array<i64: 2, 512>}, {pipeline_mode = #tpu.pipeline_mode<synchronous>, transform_indices = @transform_3, window_bounds = array<i64: 4, 16>}]} {
    %get3A = arith.constant 0 : index
    %get3A_0 = arith.constant 0 : index
    %get3A_1 = vector.load %arg1[%get3A, %get3A_0] : memref<345x512xf32, #tpu.memory_space<vmem>>, vector<345x512xf32>
    %ne3A = arith.cmpf one, %get3A_1, %get3A_1 : vector<345x512xf32>
    %jit3A = arith.constant 0.000000e+00 : f32
    %broadcast_in_dim3A = vector.broadcast %jit3A : f32 to vector<345x512xf32>
    %select_n3A = arith.select %ne3A, %broadcast_in_dim3A, %get3A_1 : vector<345x512xi1>, vector<345x512xf32>
    %ne3A_2 = arith.constant 0.000000e+00 : f32
    %ne3A_3 = vector.broadcast %ne3A_2 : f32 to vector<345x512xf32>
    %ne3A_4 = arith.cmpf one, %select_n3A, %ne3A_3 : vector<345x512xf32>
    %jit3A_5 = arith.constant 1.000000e+00 : f32
    %jit3A_6 = arith.constant 0.000000e+00 : f32
    %broadcast_in_dim3A_7 = vector.broadcast %jit3A_5 : f32 to vector<345x512xf32>
    %broadcast_in_dim3A_8 = vector.broadcast %jit3A_6 : f32 to vector<345x512xf32>
    %select_n3A_9 = arith.select %ne3A_4, %broadcast_in_dim3A_7, %broadcast_in_dim3A_8 : vector<345x512xi1>, vector<345x512xf32>
    %get3A_10 = arith.constant 0 : index
    %get3A_11 = arith.constant 0 : index
    %get3A_12 = vector.load %arg2[%get3A_10, %get3A_11] : memref<2x345xf32, #tpu.memory_space<vmem>>, vector<2x345xf32>
    %dot_general3A = arith.constant dense<0.000000e+00> : vector<2x512xf32>
    %dot_general3A_13 = tpu.matmul %get3A_12, %select_n3A, %dot_general3A {dimension_numbers = #tpu.dot_dimension_numbers<[1], [0], [0], [1], [0, 0, 1, 1], [], []>, transpose_lhs_hint = false} : vector<2x345xf32>, vector<345x512xf32>, vector<2x512xf32> -> vector<2x512xf32>
    %dot_general3A_14 = arith.constant dense<0.000000e+00> : vector<2x512xf32>
    %dot_general3A_15 = tpu.matmul %get3A_12, %select_n3A_9, %dot_general3A_14 {dimension_numbers = #tpu.dot_dimension_numbers<[1], [0], [0], [1], [0, 0, 1, 1], [], []>, transpose_lhs_hint = false} : vector<2x345xf32>, vector<345x512xf32>, vector<2x512xf32> -> vector<2x512xf32>
    %swap3A = arith.constant 0 : index
    %swap3A_16 = arith.constant 0 : index
    %swap3A_17 = vector.load %arg3[%swap3A, %swap3A_16] : memref<2x512xf32, #tpu.memory_space<vmem>>, vector<2x512xf32>
    tpu.vector_store %arg3[%swap3A, %swap3A_16], %dot_general3A_13 {strides = array<i32>} : memref<2x512xf32, #tpu.memory_space<vmem>>, vector<2x512xf32>,
    %ne3A_18 = arith.constant 0.000000e+00 : f32
    %ne3A_19 = vector.broadcast %ne3A_18 : f32 to vector<2x512xf32>
    %ne3A_20 = arith.cmpf one, %dot_general3A_13, %ne3A_19 : vector<2x512xf32>
    %jit3A_21 = arith.constant 1.000000e+00 : f32
    %jit3A_22 = arith.constant 0.000000e+00 : f32
    %broadcast_in_dim3A_23 = vector.broadcast %jit3A_21 : f32 to vector<2x512xf32>
    %broadcast_in_dim3A_24 = vector.broadcast %jit3A_22 : f32 to vector<2x512xf32>
    %select_n3A_25 = arith.select %ne3A_20, %broadcast_in_dim3A_23, %broadcast_in_dim3A_24 : vector<2x512xi1>, vector<2x512xf32>
    %slice3A = vector.extract_strided_slice %dot_general3A_15 {offsets = [0, 0], sizes = [1, 512], strides = [1, 1]} : vector<2x512xf32> to vector<1x512xf32>
    %reduce_sum3A = vector.shape_cast %slice3A : vector<1x512xf32> to vector<1x1x512xf32>
    %reduce_sum3A_26 = arith.constant dense<0.000000e+00> : vector<1xf32>
    %reduce_sum3A_27 = vector.multi_reduction <add>, %reduce_sum3A, %reduce_sum3A_26 [1, 2] : vector<1x1x512xf32> to vector<1xf32>
    %reduce_sum3A_28 = vector.shape_cast %reduce_sum3A_27 : vector<1xf32> to vector<1x1x1xf32>
    %reduce_sum3A_29 = vector.extract %reduce_sum3A_28[0, 0, 0] : f32 from vector<1x1x1xf32>
    %slice3A_30 = vector.extract_strided_slice %dot_general3A_15 {offsets = [1, 0], sizes = [1, 512], strides = [1, 1]} : vector<2x512xf32> to vector<1x512xf32>
    %reduce_sum3A_31 = vector.shape_cast %slice3A_30 : vector<1x512xf32> to vector<1x1x512xf32>
    %reduce_sum3A_32 = arith.constant dense<0.000000e+00> : vector<1xf32>
    %reduce_sum3A_33 = vector.multi_reduction <add>, %reduce_sum3A_31, %reduce_sum3A_32 [1, 2] : vector<1x1x512xf32> to vector<1xf32>
    %reduce_sum3A_34 = vector.shape_cast %reduce_sum3A_33 : vector<1xf32> to vector<1x1x1xf32>
    %reduce_sum3A_35 = vector.extract %reduce_sum3A_34[0, 0, 0] : f32 from vector<1x1x1xf32>
    %slice3A_36 = vector.extract_strided_slice %select_n3A_25 {offsets = [0, 0], sizes = [1, 512], strides = [1, 1]} : vector<2x512xf32> to vector<1x512xf32>
    %reduce_sum3A_37 = vector.shape_cast %slice3A_36 : vector<1x512xf32> to vector<1x1x512xf32>
    %reduce_sum3A_38 = arith.constant dense<0.000000e+00> : vector<1xf32>
    %reduce_sum3A_39 = vector.multi_reduction <add>, %reduce_sum3A_37, %reduce_sum3A_38 [1, 2] : vector<1x1x512xf32> to vector<1xf32>
    %reduce_sum3A_40 = vector.shape_cast %reduce_sum3A_39 : vector<1xf32> to vector<1x1x1xf32>
    %reduce_sum3A_41 = vector.extract %reduce_sum3A_40[0, 0, 0] : f32 from vector<1x1x1xf32>
    %slice3A_42 = vector.extract_strided_slice %select_n3A_25 {offsets = [1, 0], sizes = [1, 512], strides = [1, 1]} : vector<2x512xf32> to vector<1x512xf32>
    %reduce_sum3A_43 = vector.shape_cast %slice3A_42 : vector<1x512xf32> to vector<1x1x512xf32>
    %reduce_sum3A_44 = arith.constant dense<0.000000e+00> : vector<1xf32>
    %reduce_sum3A_45 = vector.multi_reduction <add>, %reduce_sum3A_43, %reduce_sum3A_44 [1, 2] : vector<1x1x512xf32> to vector<1xf32>
    %reduce_sum3A_46 = vector.shape_cast %reduce_sum3A_45 : vector<1xf32> to vector<1x1x1xf32>
    %reduce_sum3A_47 = vector.extract %reduce_sum3A_46[0, 0, 0] : f32 from vector<1x1x1xf32>
    %iota3A = tpu.iota {dimensions = array<i32: 0>} : vector<4x16xi32>
    %eq3A = arith.constant 0 : i32
    %eq3A_48 = vector.broadcast %eq3A : i32 to vector<4x16xi32>
    %eq3A_49 = arith.cmpi eq, %iota3A, %eq3A_48 : vector<4x16xi32>
    %jit3A_50 = arith.constant 0.000000e+00 : f32
    %broadcast_in_dim3A_51 = vector.broadcast %reduce_sum3A_29 : f32 to vector<4x16xf32>
    %broadcast_in_dim3A_52 = vector.broadcast %jit3A_50 : f32 to vector<4x16xf32>
    %select_n3A_53 = arith.select %eq3A_49, %broadcast_in_dim3A_51, %broadcast_in_dim3A_52 : vector<4x16xi1>, vector<4x16xf32>
    %eq3A_54 = arith.constant 1 : i32
    %eq3A_55 = vector.broadcast %eq3A_54 : i32 to vector<4x16xi32>
    %eq3A_56 = arith.cmpi eq, %iota3A, %eq3A_55 : vector<4x16xi32>
    %jit3A_57 = arith.constant 0.000000e+00 : f32
    %broadcast_in_dim3A_58 = vector.broadcast %reduce_sum3A_35 : f32 to vector<4x16xf32>
    %broadcast_in_dim3A_59 = vector.broadcast %jit3A_57 : f32 to vector<4x16xf32>
    %select_n3A_60 = arith.select %eq3A_56, %broadcast_in_dim3A_58, %broadcast_in_dim3A_59 : vector<4x16xi1>, vector<4x16xf32>
    %add3A = arith.addf %select_n3A_53, %select_n3A_60 : vector<4x16xf32>
    %eq3A_61 = arith.constant 2 : i32
    %eq3A_62 = vector.broadcast %eq3A_61 : i32 to vector<4x16xi32>
    %eq3A_63 = arith.cmpi eq, %iota3A, %eq3A_62 : vector<4x16xi32>
    %jit3A_64 = arith.constant 0.000000e+00 : f32
    %broadcast_in_dim3A_65 = vector.broadcast %reduce_sum3A_41 : f32 to vector<4x16xf32>
    %broadcast_in_dim3A_66 = vector.broadcast %jit3A_64 : f32 to vector<4x16xf32>
    %select_n3A_67 = arith.select %eq3A_63, %broadcast_in_dim3A_65, %broadcast_in_dim3A_66 : vector<4x16xi1>, vector<4x16xf32>
    %add3A_68 = arith.addf %add3A, %select_n3A_67 : vector<4x16xf32>
    %eq3A_69 = arith.constant 3 : i32
    %eq3A_70 = vector.broadcast %eq3A_69 : i32 to vector<4x16xi32>
    %eq3A_71 = arith.cmpi eq, %iota3A, %eq3A_70 : vector<4x16xi32>
    %jit3A_72 = arith.constant 0.000000e+00 : f32
    %broadcast_in_dim3A_73 = vector.broadcast %reduce_sum3A_47 : f32 to vector<4x16xf32>
    %broadcast_in_dim3A_74 = vector.broadcast %jit3A_72 : f32 to vector<4x16xf32>
    %select_n3A_75 = arith.select %eq3A_71, %broadcast_in_dim3A_73, %broadcast_in_dim3A_74 : vector<4x16xi1>, vector<4x16xf32>
    %add3A_76 = arith.addf %add3A_68, %select_n3A_75 : vector<4x16xf32>
    %eq3A_77 = arith.constant 0 : i32
    %eq3A_78 = arith.cmpi eq, %arg0, %eq3A_77 : i32
    %convert_element_type3A = arith.extui %eq3A_78 : i1 to i32
    %cond3A = arith.constant 0 : i32
    %cond3A_79 = arith.cmpi ne, %convert_element_type3A, %cond3A : i32
    scf.if %cond3A_79 {
      %broadcast_in_dim3A_87 = arith.constant 0.000000e+00 : f32
      %broadcast_in_dim3A_88 = vector.broadcast %broadcast_in_dim3A_87 : f32 to vector<4x16xf32>
      %swap3A_89 = arith.constant 0 : index
      %swap3A_90 = arith.constant 0 : index
      %swap3A_91 = vector.load %arg4[%swap3A_89, %swap3A_90] : memref<4x16xf32, #tpu.memory_space<vmem>>, vector<4x16xf32>
      tpu.vector_store %arg4[%swap3A_89, %swap3A_90], %broadcast_in_dim3A_88 {strides = array<i32>} : memref<4x16xf32, #tpu.memory_space<vmem>>, vector<4x16xf32>,
    } else {
    }
    %get3A_80 = arith.constant 0 : index
    %get3A_81 = arith.constant 0 : index
    %get3A_82 = vector.load %arg4[%get3A_80, %get3A_81] : memref<4x16xf32, #tpu.memory_space<vmem>>, vector<4x16xf32>
    %add3A_83 = arith.addf %get3A_82, %add3A_76 : vector<4x16xf32>
    %swap3A_84 = arith.constant 0 : index
    %swap3A_85 = arith.constant 0 : index
    %swap3A_86 = vector.load %arg4[%swap3A_84, %swap3A_85] : memref<4x16xf32, #tpu.memory_space<vmem>>, vector<4x16xf32>
    tpu.vector_store %arg4[%swap3A_84, %swap3A_85], %add3A_83 {strides = array<i32>} : memref<4x16xf32, #tpu.memory_space<vmem>>, vector<4x16xf32>,
    return
  }
  func.func @transform_0(%arg0: i32) -> (i32, i32) {
    %c0_i32 = arith.constant 0 : i32
    %c0_i32_0 = arith.constant 0 : i32
    return %c0_i32, %arg0 : i32, i32
  }
  func.func @transform_1(%arg0: i32) -> (i32, i32) {
    %c0_i32 = arith.constant 0 : i32
    %c0_i32_0 = arith.constant 0 : i32
    %c0_i32_1 = arith.constant 0 : i32
    return %c0_i32, %c0_i32_0 : i32, i32
  }
  func.func @transform_2(%arg0: i32) -> (i32, i32) {
    %c0_i32 = arith.constant 0 : i32
    %c0_i32_0 = arith.constant 0 : i32
    return %c0_i32, %arg0 : i32, i32
  }
  func.func @transform_3(%arg0: i32) -> (i32, i32) {
    %c0_i32 = arith.constant 0 : i32
    %c0_i32_0 = arith.constant 0 : i32
    %c0_i32_1 = arith.constant 0 : i32
    return %c0_i32, %c0_i32_0 : i32, i32
  }
}

module attributes {stable_mosaic.version = 14 : i64} {
  func.func @_feat_body(%arg0: i32, %arg1: memref<32xi32, #tpu.memory_space<smem>>, %arg2: memref<1x128xi32, #tpu.memory_space<vmem>>, %arg3: memref<345x16384xf32, #tpu.memory_space<hbm>>, %arg4: memref<4x16xf32, #tpu.memory_space<vmem>>, %arg5: memref<1x16xi32, #tpu.memory_space<vmem>>, %arg6: memref<153x258xf32, #tpu.memory_space<vmem>>, %arg7: memref<890x258xf32, #tpu.memory_space<vmem>>, %arg8: memref<890x258xf32, #tpu.memory_space<vmem>>, %arg9: memref<890x258xf32, #tpu.memory_space<vmem>>, %arg10: memref<1196x128xf32, #tpu.memory_space<vmem>>, %arg11: memref<345x128xf32, #tpu.memory_space<vmem>>, %arg12: memref<345x512xf32, #tpu.memory_space<vmem>>, %arg13: memref<!tpu.dma_semaphore, #tpu.memory_space<semaphore_mem>>) attributes {dimension_semantics = [#tpu.dimension_semantics<arbitrary>], iteration_bounds = array<i64: 32>, scalar_prefetch = 0 : i64, scratch_operands = 3 : i64, tpu.core_type = #tpu.core_type<tc>, window_params = [{transform_indices = @transform_0, window_bounds = array<i64: 32>}, {pipeline_mode = #tpu.pipeline_mode<synchronous>, transform_indices = @transform_1, window_bounds = array<i64: 1, 128>}, {}, {pipeline_mode = #tpu.pipeline_mode<synchronous>, transform_indices = @transform_3, window_bounds = array<i64: 4, 16>}, {pipeline_mode = #tpu.pipeline_mode<synchronous>, transform_indices = @transform_4, window_bounds = array<i64: 1, 16>}, {pipeline_mode = #tpu.pipeline_mode<synchronous>, transform_indices = @transform_5, window_bounds = array<i64: 153, 258>}, {pipeline_mode = #tpu.pipeline_mode<synchronous>, transform_indices = @transform_6, window_bounds = array<i64: 890, 258>}, {pipeline_mode = #tpu.pipeline_mode<synchronous>, transform_indices = @transform_7, window_bounds = array<i64: 890, 258>}, {pipeline_mode = #tpu.pipeline_mode<synchronous>, transform_indices = @transform_8, window_bounds = array<i64: 890, 258>}, {pipeline_mode = #tpu.pipeline_mode<synchronous>, transform_indices = @transform_9, window_bounds = array<i64: 1196, 128>}]} {
    %eq3A = arith.constant 0 : i32
    %eq3A_0 = arith.cmpi eq, %arg0, %eq3A : i32
    %convert_element_type3A = arith.extui %eq3A_0 : i1 to i32
    %cond3A = arith.constant 0 : i32
    %cond3A_1 = arith.cmpi ne, %convert_element_type3A, %cond3A : i32
    scf.if %cond3A_1 {
      %broadcast_in_dim3A = arith.constant 0.000000e+00 : f32
      %broadcast_in_dim3A_12 = vector.broadcast %broadcast_in_dim3A : f32 to vector<345x128xf32>
      %swap3A = arith.constant 0 : index
      %swap3A_13 = arith.constant 0 : index
      %swap3A_14 = vector.load %arg11[%swap3A, %swap3A_13] : memref<345x128xf32, #tpu.memory_space<vmem>>, vector<345x128xf32>
      tpu.vector_store %arg11[%swap3A, %swap3A_13], %broadcast_in_dim3A_12 {strides = array<i32>} : memref<345x128xf32, #tpu.memory_space<vmem>>, vector<345x128xf32>,
    } else {
    }
    %get3A = arith.index_cast %arg0 : i32 to index
    %get3A_2 = memref.load %arg1[%get3A] : memref<32xi32, #tpu.memory_space<smem>>
    %ne3A = arith.constant 0 : i32
    %ne3A_3 = arith.cmpi ne, %get3A_2, %ne3A : i32
    %convert_element_type3A_4 = arith.extui %ne3A_3 : i1 to i32
    %cond3A_5 = arith.constant 0 : i32
    %cond3A_6 = arith.cmpi ne, %convert_element_type3A_4, %cond3A_5 : i32
    scf.if %cond3A_6 {
      %mul3A = arith.constant 512 : i32
      %mul3A_12 = arith.muli %arg0, %mul3A : i32
      %dma_start3A = arith.constant 0 : i32
      %dma_start3A_13 = tpu.memref_slice %arg3[%dma_start3A, %mul3A_12] : memref<345x16384xf32, #tpu.memory_space<hbm>> -> memref<345x512xf32, #tpu.memory_space<hbm>>
      tpu.enqueue_dma source(%dma_start3A_13 : memref<345x512xf32, #tpu.memory_space<hbm>>) target(%arg12 : memref<345x512xf32, #tpu.memory_space<vmem>>) target_semaphore(%arg13 : memref<!tpu.dma_semaphore, #tpu.memory_space<semaphore_mem>>)
      %dma_wait3A = arith.constant 0 : i32
      %dma_wait3A_14 = tpu.memref_slice %arg3[%dma_wait3A, %mul3A_12] : memref<345x16384xf32, #tpu.memory_space<hbm>> -> memref<345x512xf32, #tpu.memory_space<hbm>>
      tpu.wait_dma2 semaphore(%arg13 : memref<!tpu.dma_semaphore, #tpu.memory_space<semaphore_mem>>) src(%dma_wait3A_14 : memref<345x512xf32, #tpu.memory_space<hbm>>) dst(%arg12 : memref<345x512xf32, #tpu.memory_space<vmem>>)
      %get3A_15 = arith.constant 0 : index
      %get3A_16 = arith.constant 0 : index
      %get3A_17 = vector.load %arg12[%get3A_15, %get3A_16] : memref<345x512xf32, #tpu.memory_space<vmem>>, vector<345x512xf32>
      %ne3A_18 = arith.cmpf one, %get3A_17, %get3A_17 : vector<345x512xf32>
      %jit3A = arith.constant 0.000000e+00 : f32
      %broadcast_in_dim3A = vector.broadcast %jit3A : f32 to vector<345x512xf32>
      %select_n3A = arith.select %ne3A_18, %broadcast_in_dim3A, %get3A_17 : vector<345x512xi1>, vector<345x512xf32>
      %iota3A = tpu.iota {dimensions = array<i32: 0>} : vector<512x128xi32>
      %mul3A_19 = arith.constant 512 : i32
      %mul3A_20 = arith.muli %arg0, %mul3A_19 : i32
      %add3A = vector.broadcast %mul3A_20 : i32 to vector<512x128xi32>
      %add3A_21 = arith.addi %iota3A, %add3A : vector<512x128xi32>
      %get3A_22 = arith.constant 0 : index
      %get3A_23 = arith.constant 0 : index
      %get3A_24 = vector.load %arg2[%get3A_22, %get3A_23] : memref<1x128xi32, #tpu.memory_space<vmem>>, vector<1x128xi32>
      %eq3A_25 = vector.broadcast %get3A_24 : vector<1x128xi32> to vector<512x128xi32>
      %eq3A_26 = arith.cmpi eq, %add3A_21, %eq3A_25 : vector<512x128xi32>
      %jit3A_27 = arith.constant 1.000000e+00 : f32
      %jit3A_28 = arith.constant 0.000000e+00 : f32
      %broadcast_in_dim3A_29 = vector.broadcast %jit3A_27 : f32 to vector<512x128xf32>
      %broadcast_in_dim3A_30 = vector.broadcast %jit3A_28 : f32 to vector<512x128xf32>
      %select_n3A_31 = arith.select %eq3A_26, %broadcast_in_dim3A_29, %broadcast_in_dim3A_30 : vector<512x128xi1>, vector<512x128xf32>
      %get3A_32 = arith.constant 0 : index
      %get3A_33 = arith.constant 0 : index
      %get3A_34 = vector.load %arg11[%get3A_32, %get3A_33] : memref<345x128xf32, #tpu.memory_space<vmem>>, vector<345x128xf32>
      %dot_general3A = arith.constant dense<0.000000e+00> : vector<345x128xf32>
      %dot_general3A_35 = tpu.matmul %select_n3A, %select_n3A_31, %dot_general3A {dimension_numbers = #tpu.dot_dimension_numbers<[1], [0], [0], [1], [0, 0, 1, 1], [], []>, transpose_lhs_hint = false} : vector<345x512xf32>, vector<512x128xf32>, vector<345x128xf32> -> vector<345x128xf32>
      %add3A_36 = arith.addf %get3A_34, %dot_general3A_35 : vector<345x128xf32>
      %swap3A = arith.constant 0 : index
      %swap3A_37 = arith.constant 0 : index
      %swap3A_38 = vector.load %arg11[%swap3A, %swap3A_37] : memref<345x128xf32, #tpu.memory_space<vmem>>, vector<345x128xf32>
      tpu.vector_store %arg11[%swap3A, %swap3A_37], %add3A_36 {strides = array<i32>} : memref<345x128xf32, #tpu.memory_space<vmem>>, vector<345x128xf32>,
    } else {
    }
    %eq3A_7 = arith.constant 31 : i32
    %eq3A_8 = arith.cmpi eq, %arg0, %eq3A_7 : i32
    %convert_element_type3A_9 = arith.extui %eq3A_8 : i1 to i32
    %cond3A_10 = arith.constant 0 : i32
    %cond3A_11 = arith.cmpi ne, %convert_element_type3A_9, %cond3A_10 : i32
    scf.if %cond3A_11 {
      %get3A_12 = arith.constant 0 : index
      %get3A_13 = arith.constant 0 : index
      %get3A_14 = vector.load %arg11[%get3A_12, %get3A_13] : memref<345x128xf32, #tpu.memory_space<vmem>>, vector<345x128xf32>
      %get3A_15 = arith.constant 0 : index
      %get3A_16 = arith.constant 0 : index
      %get3A_17 = vector.load %arg4[%get3A_15, %get3A_16] : memref<4x16xf32, #tpu.memory_space<vmem>>, vector<1x1xf32>
      %get3A_18 = vector.extract %get3A_17[0, 0] : f32 from vector<1x1xf32>
      %get3A_19 = arith.constant 1 : index
      %get3A_20 = arith.constant 0 : index
      %get3A_21 = vector.load %arg4[%get3A_19, %get3A_20] : memref<4x16xf32, #tpu.memory_space<vmem>>, vector<1x1xf32>
      %get3A_22 = vector.extract %get3A_21[0, 0] : f32 from vector<1x1xf32>
      %gt3A = arith.cmpf ogt, %get3A_18, %get3A_22 : f32
      %get3A_23 = arith.constant 0 : index
      %get3A_24 = arith.constant 0 : index
      %get3A_25 = vector.load %arg5[%get3A_23, %get3A_24] : memref<1x16xi32, #tpu.memory_space<vmem>>, vector<1x1xi32>
      %get3A_26 = vector.extract %get3A_25[0, 0] : i32 from vector<1x1xi32>
      %slice3A = vector.extract_strided_slice %get3A_14 {offsets = [40, 0], sizes = [21, 128], strides = [1, 1]} : vector<345x128xf32> to vector<21x128xf32>
      %slice3A_27 = vector.extract_strided_slice %get3A_14 {offsets = [94, 0], sizes = [21, 128], strides = [1, 1]} : vector<345x128xf32> to vector<21x128xf32>
      %select_n3A = arith.select %gt3A, %slice3A, %slice3A_27 : vector<21x128xf32>
      %slice3A_28 = vector.extract_strided_slice %get3A_14 {offsets = [61, 0], sizes = [25, 128], strides = [1, 1]} : vector<345x128xf32> to vector<25x128xf32>
      %slice3A_29 = vector.extract_strided_slice %get3A_14 {offsets = [0, 0], sizes = [40, 128], strides = [1, 1]} : vector<345x128xf32> to vector<40x128xf32>
      %slice3A_30 = vector.extract_strided_slice %get3A_14 {offsets = [155, 0], sizes = [21, 128], strides = [1, 1]} : vector<345x128xf32> to vector<21x128xf32>
      %slice3A_31 = vector.extract_strided_slice %get3A_14 {offsets = [209, 0], sizes = [21, 128], strides = [1, 1]} : vector<345x128xf32> to vector<21x128xf32>
      %select_n3A_32 = arith.select %gt3A, %slice3A_30, %slice3A_31 : vector<21x128xf32>
      %slice3A_33 = vector.extract_strided_slice %get3A_14 {offsets = [176, 0], sizes = [25, 128], strides = [1, 1]} : vector<345x128xf32> to vector<25x128xf32>
      %slice3A_34 = vector.extract_strided_slice %get3A_14 {offsets = [115, 0], sizes = [40, 128], strides = [1, 1]} : vector<345x128xf32> to vector<40x128xf32>
      %slice3A_35 = vector.extract_strided_slice %get3A_14 {offsets = [270, 0], sizes = [21, 128], strides = [1, 1]} : vector<345x128xf32> to vector<21x128xf32>
      %slice3A_36 = vector.extract_strided_slice %get3A_14 {offsets = [324, 0], sizes = [21, 128], strides = [1, 1]} : vector<345x128xf32> to vector<21x128xf32>
      %select_n3A_37 = arith.select %gt3A, %slice3A_35, %slice3A_36 : vector<21x128xf32>
      %slice3A_38 = vector.extract_strided_slice %get3A_14 {offsets = [291, 0], sizes = [25, 128], strides = [1, 1]} : vector<345x128xf32> to vector<25x128xf32>
      %slice3A_39 = vector.extract_strided_slice %get3A_14 {offsets = [230, 0], sizes = [40, 128], strides = [1, 1]} : vector<345x128xf32> to vector<40x128xf32>
      %concatenate3A = tpu.concatenate %select_n3A, %slice3A_28, %slice3A_29, %select_n3A_32, %slice3A_33, %slice3A_34, %select_n3A_37, %slice3A_38, %slice3A_39 in 0 : vector<21x128xf32>, vector<25x128xf32>, vector<40x128xf32>, vector<21x128xf32>, vector<25x128xf32>, vector<40x128xf32>, vector<21x128xf32>, vector<25x128xf32>, vector<40x128xf32> -> vector<258x128xf32>
      %iota3A = tpu.iota {dimensions = array<i32: 0>} : vector<258x1xi32>
      %lt3A = arith.constant 86 : i32
      %lt3A_40 = vector.broadcast %lt3A : i32 to vector<258x1xi32>
      %lt3A_41 = arith.cmpi slt, %iota3A, %lt3A_40 : vector<258x1xi32>
      %and3A = vector.broadcast %gt3A : i1 to vector<258x1xi1>
      %and3A_42 = arith.andi %and3A, %lt3A_41 : vector<258x1xi1>
      %jit3A = arith.constant -1.000000e+00 : f32
      %jit3A_43 = arith.constant 1.000000e+00 : f32
      %broadcast_in_dim3A = vector.broadcast %jit3A : f32 to vector<258x1xf32>
      %broadcast_in_dim3A_44 = vector.broadcast %jit3A_43 : f32 to vector<258x1xf32>
      %select_n3A_45 = arith.select %and3A_42, %broadcast_in_dim3A, %broadcast_in_dim3A_44 : vector<258x1xi1>, vector<258x1xf32>
      %mul3A = vector.broadcast %select_n3A_45 : vector<258x1xf32> to vector<258x128xf32>
      %mul3A_46 = arith.mulf %concatenate3A, %mul3A : vector<258x128xf32>
      %slice3A_47 = vector.extract_strided_slice %mul3A_46 {offsets = [0, 1], sizes = [258, 127], strides = [1, 1]} : vector<258x128xf32> to vector<258x127xf32>
      %broadcast_in_dim3A_48 = arith.constant 0.000000e+00 : f32
      %broadcast_in_dim3A_49 = vector.broadcast %broadcast_in_dim3A_48 : f32 to vector<258x1xf32>
      %concatenate3A_50 = tpu.concatenate %slice3A_47, %broadcast_in_dim3A_49 in 1 : vector<258x127xf32>, vector<258x1xf32> -> vector<258x128xf32>
      %iota3A_51 = tpu.iota {dimensions = array<i32: 1>} : vector<1x128xi32>
      %sub3A = arith.constant 1 : i32
      %sub3A_52 = arith.subi %get3A_26, %sub3A : i32
      %lt3A_53 = vector.broadcast %sub3A_52 : i32 to vector<1x128xi32>
      %lt3A_54 = arith.cmpi slt, %iota3A_51, %lt3A_53 : vector<1x128xi32>
      %sub3A_55 = arith.subf %mul3A_46, %concatenate3A_50 : vector<258x128xf32>
      %jit3A_56 = arith.constant 0.000000e+00 : f32
      %broadcast_in_dim3A_57 = vector.shape_cast %lt3A_54 : vector<1x128xi1> to vector<1x128xi1>
      %broadcast_in_dim3A_58 = vector.broadcast %broadcast_in_dim3A_57 : vector<1x128xi1> to vector<258x128xi1>
      %broadcast_in_dim3A_59 = vector.broadcast %jit3A_56 : f32 to vector<258x128xf32>
      %select_n3A_60 = arith.select %broadcast_in_dim3A_58, %sub3A_55, %broadcast_in_dim3A_59 : vector<258x128xi1>, vector<258x128xf32>
      %get3A_61 = arith.constant 0 : index
      %get3A_62 = arith.constant 0 : index
      %get3A_63 = vector.load %arg6[%get3A_61, %get3A_62] : memref<153x258xf32, #tpu.memory_space<vmem>>, vector<153x258xf32>
      %dot_general3A = arith.constant dense<0.000000e+00> : vector<153x128xf32>
      %dot_general3A_64 = tpu.matmul %get3A_63, %mul3A_46, %dot_general3A {dimension_numbers = #tpu.dot_dimension_numbers<[1], [0], [0], [1], [0, 0, 1, 1], [], []>, transpose_lhs_hint = false} : vector<153x258xf32>, vector<258x128xf32>, vector<153x128xf32> -> vector<153x128xf32>
      %get3A_65 = arith.constant 0 : index
      %get3A_66 = arith.constant 0 : index
      %get3A_67 = vector.load %arg6[%get3A_65, %get3A_66] : memref<153x258xf32, #tpu.memory_space<vmem>>, vector<153x258xf32>
      %dot_general3A_68 = arith.constant dense<0.000000e+00> : vector<153x128xf32>
      %dot_general3A_69 = tpu.matmul %get3A_67, %select_n3A_60, %dot_general3A_68 {dimension_numbers = #tpu.dot_dimension_numbers<[1], [0], [0], [1], [0, 0, 1, 1], [], []>, transpose_lhs_hint = false} : vector<153x258xf32>, vector<258x128xf32>, vector<153x128xf32> -> vector<153x128xf32>
      %get3A_70 = arith.constant 0 : index
      %get3A_71 = arith.constant 0 : index
      %get3A_72 = vector.load %arg7[%get3A_70, %get3A_71] : memref<890x258xf32, #tpu.memory_space<vmem>>, vector<890x258xf32>
      %dot_general3A_73 = arith.constant dense<0.000000e+00> : vector<890x128xf32>
      %dot_general3A_74 = tpu.matmul %get3A_72, %mul3A_46, %dot_general3A_73 {dimension_numbers = #tpu.dot_dimension_numbers<[1], [0], [0], [1], [0, 0, 1, 1], [], []>, transpose_lhs_hint = false} : vector<890x258xf32>, vector<258x128xf32>, vector<890x128xf32> -> vector<890x128xf32>
      %get3A_75 = arith.constant 0 : index
      %get3A_76 = arith.constant 0 : index
      %get3A_77 = vector.load %arg8[%get3A_75, %get3A_76] : memref<890x258xf32, #tpu.memory_space<vmem>>, vector<890x258xf32>
      %dot_general3A_78 = arith.constant dense<0.000000e+00> : vector<890x128xf32>
      %dot_general3A_79 = tpu.matmul %get3A_77, %mul3A_46, %dot_general3A_78 {dimension_numbers = #tpu.dot_dimension_numbers<[1], [0], [0], [1], [0, 0, 1, 1], [], []>, transpose_lhs_hint = false} : vector<890x258xf32>, vector<258x128xf32>, vector<890x128xf32> -> vector<890x128xf32>
      %get3A_80 = arith.constant 0 : index
      %get3A_81 = arith.constant 0 : index
      %get3A_82 = vector.load %arg9[%get3A_80, %get3A_81] : memref<890x258xf32, #tpu.memory_space<vmem>>, vector<890x258xf32>
      %dot_general3A_83 = arith.constant dense<0.000000e+00> : vector<890x128xf32>
      %dot_general3A_84 = tpu.matmul %get3A_82, %mul3A_46, %dot_general3A_83 {dimension_numbers = #tpu.dot_dimension_numbers<[1], [0], [0], [1], [0, 0, 1, 1], [], []>, transpose_lhs_hint = false} : vector<890x258xf32>, vector<258x128xf32>, vector<890x128xf32> -> vector<890x128xf32>
      %mul3A_85 = arith.mulf %dot_general3A_74, %dot_general3A_74 : vector<890x128xf32>
      %mul3A_86 = arith.mulf %dot_general3A_79, %dot_general3A_79 : vector<890x128xf32>
      %add3A = arith.addf %mul3A_85, %mul3A_86 : vector<890x128xf32>
      %mul3A_87 = arith.mulf %dot_general3A_84, %dot_general3A_84 : vector<890x128xf32>
      %add3A_88 = arith.addf %add3A, %mul3A_87 : vector<890x128xf32>
      %sqrt3A = math.sqrt %add3A_88 : vector<890x128xf32>
      %concatenate3A_89 = tpu.concatenate %dot_general3A_64, %dot_general3A_69, %sqrt3A in 0 : vector<153x128xf32>, vector<153x128xf32>, vector<890x128xf32> -> vector<1196x128xf32>
      %swap3A = arith.constant 0 : index
      %swap3A_90 = arith.constant 0 : index
      %swap3A_91 = vector.load %arg10[%swap3A, %swap3A_90] : memref<1196x128xf32, #tpu.memory_space<vmem>>, vector<1196x128xf32>
      tpu.vector_store %arg10[%swap3A, %swap3A_90], %concatenate3A_89 {strides = array<i32>} : memref<1196x128xf32, #tpu.memory_space<vmem>>, vector<1196x128xf32>,
    } else {
    }
    return
  }
  func.func @transform_0(%arg0: i32) -> i32 {
    %c0_i32 = arith.constant 0 : i32
    %c0_i32_0 = arith.constant 0 : i32
    return %c0_i32 : i32
  }
  func.func @transform_1(%arg0: i32) -> (i32, i32) {
    %c0_i32 = arith.constant 0 : i32
    %c0_i32_0 = arith.constant 0 : i32
    %c0_i32_1 = arith.constant 0 : i32
    return %c0_i32, %c0_i32_0 : i32, i32
  }
  func.func @transform_3(%arg0: i32) -> (i32, i32) {
    %c0_i32 = arith.constant 0 : i32
    %c0_i32_0 = arith.constant 0 : i32
    %c0_i32_1 = arith.constant 0 : i32
    return %c0_i32, %c0_i32_0 : i32, i32
  }
  func.func @transform_4(%arg0: i32) -> (i32, i32) {
    %c0_i32 = arith.constant 0 : i32
    %c0_i32_0 = arith.constant 0 : i32
    %c0_i32_1 = arith.constant 0 : i32
    return %c0_i32, %c0_i32_0 : i32, i32
  }
  func.func @transform_5(%arg0: i32) -> (i32, i32) {
    %c0_i32 = arith.constant 0 : i32
    %c0_i32_0 = arith.constant 0 : i32
    %c0_i32_1 = arith.constant 0 : i32
    return %c0_i32, %c0_i32_0 : i32, i32
  }
  func.func @transform_6(%arg0: i32) -> (i32, i32) {
    %c0_i32 = arith.constant 0 : i32
    %c0_i32_0 = arith.constant 0 : i32
    %c0_i32_1 = arith.constant 0 : i32
    return %c0_i32, %c0_i32_0 : i32, i32
  }
  func.func @transform_7(%arg0: i32) -> (i32, i32) {
    %c0_i32 = arith.constant 0 : i32
    %c0_i32_0 = arith.constant 0 : i32
    %c0_i32_1 = arith.constant 0 : i32
    return %c0_i32, %c0_i32_0 : i32, i32
  }
  func.func @transform_8(%arg0: i32) -> (i32, i32) {
    %c0_i32 = arith.constant 0 : i32
    %c0_i32_0 = arith.constant 0 : i32
    %c0_i32_1 = arith.constant 0 : i32
    return %c0_i32, %c0_i32_0 : i32, i32
  }
  func.func @transform_9(%arg0: i32) -> (i32, i32) {
    %c0_i32 = arith.constant 0 : i32
    %c0_i32_0 = arith.constant 0 : i32
    %c0_i32_1 = arith.constant 0 : i32
    return %c0_i32, %c0_i32_0 : i32, i32
  }
}

</mosaic_0001>

<sc_bundles>
// kernel: kernel.5.cloned.1.call-start
scs
__scs_entry_jumppad:
0x0: {  	(pc) =	sbr.rel $0x88, $3  }
0x1: {  	(tag) =	ssettag $0x0;
	lr =	simm.s32 $0x1  }
0x2: {  	[smem:$0x3FA0] =	sst lr;
	_ =	strace $0xD0000000  }
0x3: {  	_ = 	snop  }
0x4: {  	_ = 	snop  }
0x5: {  	_ = 	snop  }
0x6: {  	_ = 	snop  }
0x7: {  	_ = 	snop  }
__scs_overlays_trampoline_lowered:
0x8: {  	[smem:$0x3FAF] =	sst s0  }
0x9: {  	[smem:$0x3FB0] =	sst s1  }
0xa: {  	[smem:$0x3FB1] =	sst s2  }
0xb: {  	[smem:$0x3FB2] =	sst s3  }
0xc: {  	[smem:$0x3FB3] =	sst s4  }
0xd: {  	[smem:$0x3FB4] =	sst s5  }
0xe: {  	[smem:$0x3FB5] =	sst s6  }
0xf: {  	[smem:$0x3FB6] =	sst s7  }
0x10: {  	[smem:$0x3FB7] =	sst s8  }
0x11: {  	[smem:$0x3FB8] =	sst s9;
	s0 =	simm.s32 @!p0 $0x0  }
0x12: {  	s1 =	sld [smem:$0x3F9E];
	s0 =	simm.s32 @p0 $0x1  }
0x13: {  	[smem:$0x3FB9] =	sst s0;
	s0 =	simm.s32 @!p1 $0x0  }
0x14: {  	s2 =	sld [smem:$0x3F9D];
	s0 =	simm.s32 @p1 $0x1  }
0x15: {  	[smem:$0x3FBA] =	sst s0;
	s0 =	simm.s32 @!p2 $0x0  }
0x16: {  	s3 =	sld [smem:$0x3FDB];
	s0 =	simm.s32 @p2 $0x1  }
0x17: {  	s4 =	simm.s32 $0x1BF5;
	[smem:$0x3FBC] =	sst s0  }
0x18: {  	s0 =	sld [smem:$0x3F9F];
	_ =	swait.ge [sflag:s4], $0x0  }
0x19: {  	s7 =	sld [smem:$0x3FA0]  }
0x1a: {  	s8 =	sadd.s32 $0xFFFFE003, lr  }
0x1b: {  	s9 =	sadd.s32 $0xFFFFFEF7, lr;
	s5 =	simm.s32 $0xFFFFFFFF;
	p2 =	slt.u32 s8, $0xFFFFF086  }
0x1c: {  	p1 =	slt.u32 s9, $0xF7A;
	s5 =	simm.s32 @!p2 $0x0  }
0x1d: {  	s5 =	simm.s32 @p1 $0x1;
	p0 =	seq.s32 s7, s2  }
0x1e: {  	s7 =	smul.u32 @!p0 $0xF7A, s2;
	p2 =	seq.s32 @!p0 s5, $0x0  }
0x1f: {  	s9 =	smul.u32 $0xF7A, s1;
	s8 =	simm.s32 @!p0 $0x1BF5;
	p2 =	por !p2, p0  }
0x20: {  	[sflag:s8] =	ssyncset.s32 @!p0 $0xFFFFF086;
	s6 =	sadd.s32 @!p0 s3, s7;
	s7 =	simm.s32 @!p0 $0x108  }
0x21: {  	s3 =	sadd.s32 s3, s9;
	s6 =	sadd.s32 @!p0 $0x88, s6;
	s7 =	simm.s32 @p2 $0x1082  }
0x22: {  	[simem:s7], [sflag:s8] =	dma.local @!p0 [hbm:s6], $0xF7A  }
0x23: {  	s9 =	sor.u32 $0xD0000000, s2;
	s6 =	simm.s32 $0x108;
	_ =	swait.ge @!p0 [sflag:s8], $0x0  }
0x24: {  	s3 =	sadd.s32 $0x88, s3;
	s6 =	simm.s32 @!p1 $0x1082;
	[sflag:s4] =	ssyncset.s32 $0xFFFFF086  }
0x25: {  	[simem:s6], [sflag:s4] =	dma.local [hbm:s3], $0xF7A  }
0x26: {  	[smem:$0x3FA0] =	sst s1;
	(tag) =	ssettag s2;
	_ =	strace s9  }
0x27: {  	s1 =	sld [smem:$0x3FB0]  }
0x28: {  	s2 =	sld [smem:$0x3FB1]  }
0x29: {  	s4 =	sld [smem:$0x3FB3]  }
0x2a: {  	p0 =	seq.s32 s5, $0x0;
	s5 =	sld [smem:$0x3FB4]  }
0x2b: {  	s6 =	sld [smem:$0x3FB5]  }
0x2c: {  	s7 =	sld [smem:$0x3FB6]  }
0x2d: {  	s3 =	simm.s32 $0x108;
	s8 =	sld [smem:$0x3FB7]  }
0x2e: {  	s3 =	simm.s32 @!p0 $0x1082;
	s9 =	sld [smem:$0x3FB8]  }
0x2f: {  	lr =	sadd.s32 s0, s3;
	s0 =	sld [smem:$0x3FAF]  }
0x30: {  	s3 =	sld [smem:$0x3FB2]  }
0x31: {  	[smem:$0x3FBB] =	sst s10  }
0x32: {  	s10 =	sld [smem:$0x3FB9];
	_ =	sdelay $0x3  }
0x33: {  	p0 =	seq.s32 s10, $0x1;
	s10 =	sld [smem:$0x3FBB];
	_ =	sdelay $0x3  }
0x34: {  	[smem:$0x3FBB] =	sst s10  }
0x35: {  	s10 =	sld [smem:$0x3FBA];
	_ =	sdelay $0x3  }
0x36: {  	p1 =	seq.s32 s10, $0x1;
	s10 =	sld [smem:$0x3FBB];
	_ =	sdelay $0x3  }
0x37: {  	[smem:$0x3FBB] =	sst s10  }
0x38: {  	s10 =	sld [smem:$0x3FBC]  }
0x39: {  	_ = 	snop;
	(pc) =	sbr.ind lr, $3  }
0x3a: {  	_ = 	snop  }
0x3b: {  	_ = 	snop  }
0x3c: {  	p2 =	seq.s32 s10, $0x1;
	s10 =	sld [smem:$0x3FBB]  }
0x3d: {  	_ =	shalt  }
0x3e: {  	_ =	shalt  }
0x3f: {  	_ =	shalt  }
0x40: {  	_ =	shalt  }
0x41: {  	_ =	shalt  }
0x42: {  	_ =	shalt  }
0x43: {  	_ =	shalt  }
0x44: {  	_ =	shalt  }
0x45: {  	_ =	shalt  }
0x46: {  	_ =	shalt  }
0x47: {  	_ =	shalt  }
0x48: {  	_ =	shalt  }
0x49: {  	_ =	shalt  }
0x4a: {  	_ =	shalt  }
0x4b: {  	_ =	shalt  }
0x4c: {  	_ =	shalt  }
0x4d: {  	_ =	shalt  }
0x4e: {  	_ =	shalt  }
0x4f: {  	_ =	shalt  }
0x50: {  	_ =	shalt  }
0x51: {  	_ =	shalt  }
0x52: {  	_ =	shalt  }
0x53: {  	_ =	shalt  }
0x54: {  	_ =	shalt  }
0x55: {  	_ =	shalt  }
0x56: {  	_ =	shalt  }
0x57: {  	_ =	shalt  }
0x58: {  	_ =	shalt  }
0x59: {  	_ =	shalt  }
0x5a: {  	_ =	shalt  }
0x5b: {  	_ =	shalt  }
0x5c: {  	_ =	shalt  }
0x5d: {  	_ =	shalt  }
0x5e: {  	_ =	shalt  }
0x5f: {  	_ =	shalt  }
0x60: {  	_ =	shalt  }
0x61: {  	_ =	shalt  }
0x62: {  	_ =	shalt  }
0x63: {  	_ =	shalt  }
0x64: {  	_ =	shalt  }
0x65: {  	_ =	shalt  }
0x66: {  	_ =	shalt  }
0x67: {  	_ =	shalt  }
0x68: {  	_ =	shalt  }
0x69: {  	_ =	shalt  }
0x6a: {  	_ =	shalt  }
0x6b: {  	_ =	shalt  }
0x6c: {  	_ =	shalt  }
0x6d: {  	_ =	shalt  }
0x6e: {  	_ =	shalt  }
0x6f: {  	_ =	shalt  }
0x70: {  	_ =	shalt  }
0x71: {  	_ =	shalt  }
0x72: {  	_ =	shalt  }
0x73: {  	_ =	shalt  }
0x74: {  	_ =	shalt  }
0x75: {  	_ =	shalt  }
0x76: {  	_ =	shalt  }
0x77: {  	_ =	shalt  }
0x78: {  	_ =	shalt  }
0x79: {  	_ =	shalt  }
0x7a: {  	_ =	shalt  }
0x7b: {  	_ =	shalt  }
0x7c: {  	_ =	shalt  }
0x7d: {  	_ =	shalt  }
0x7e: {  	_ =	shalt  }
0x7f: {  	_ =	shalt  }
0x80: {  	_ =	shalt  }
0x81: {  	_ =	shalt  }
0x82: {  	_ =	shalt  }
0x83: {  	_ =	shalt  }
0x84: {  	_ =	shalt  }
0x85: {  	_ =	shalt  }
0x86: {  	_ =	shalt  }
0x87: {  	_ =	shalt  }
.Lfunc_end0:
.L_simem_size_0:
called_computation_lowered:
.L_overlay_start_0:
0x88: {  	s2 =	sld [smem:$0x3FD9]  }
0x89: {  	s3 =	sld [smem:$0x3FFE];
	_ =	sdelay $0x1  }
0x8a: {  	s1 =	srdreg.scid  }
0x8b: {  	s0 =	sand.u32 $0x1, s1  }
0x8c: {  	s17 =	sshll.u32 s0, $0xA;
	s2 =	sadd.s32 s3, s2  }
0x8d: {  	s2 =	sadd.s32 s2, s17  }
0x8e: {  	[smem:$0x3FC7] =	sst s2  }
0x8f: {  	_ = 	snop  }
0x90: {  	s2 =	sld [smem:$0x3FD0];
	(tm) =	ssettm $0x1  }
0x91: {  	s18 =	sld [smem:$0x3FFB];
	_ =	sdelay $0x3  }
0x92: {  	_ =	strace s18  }
0x93: {  	s3 =	sld [smem:$0x3FFC];
	_ =	sdelay $0x3  }
0x94: {  	_ =	strace s3  }
0x95: {  	s3 =	sld [smem:$0x3FFD];
	_ =	sdelay $0x3  }
0x96: {  	_ =	strace s3  }
0x97: {  	_ =	strace $0x8FFFFFFF  }
0x98: {  	s19 =	sld [smem:$0x3FDB];
	_ =	sdelay $0x1  }
0x99: {  	s4 =	simm.s32 $_scs_section_size  }
0x9a: {  	s5 =	simm.s32 $_size__tile_overlayer_lowered;
	s6 =	simm.s32 $_tile_overlayer_lowered  }
0x9b: {  	s22 =	simm.s32 $0x1BFF;
	s21 =	sshll.u32 s6, $0x1;
	s3 =	sadd.s32 s4, s19  }
0x9c: {  	s7 =	simm.s32 $0x0;
	s20 =	sshll.u32 s5, $0x1;
	s5 =	sadd.s32 s21, s3  }
0x9d: {  	[timem:s7], [sflag:s22] =	dma.local [hbm:s5], s20  }
0x9e: {  	_ =	swait.ge [sflag:s22], s20  }
0x9f: {  	s4 =	ssub.s32 $0x0, s20;
	[sflag:s22] =	ssyncset.done $0x0  }
0xa0: {  	[sflag:s22] =	ssyncadd.s32 s4;
	_ =	sdelay $0x1  }
0xa1: {  	s23 =	simm.s32 $0x1B8B  }
0xa2: {  	_ =	swait.ge [sflag:s23], $0x1  }
0xa3: {  	[sflag:s23] =	ssyncset.done $0x0  }
0xa4: {  	s25 =	simm.s32 $0x1B8E;
	s24 =	sld [smem:$0x3FFE];
	[sflag:s23] =	ssyncadd.s32 $0xFFFFFFFF  }
0xa5: {  	s26 =	simm.s32 $execute0_lowered;
	[smem:$0x3FD2] =	sst s25  }
0xa6: {  	s5 =	sshll.u32 s26, $0x1;
	_ =	strace $0x80000046;
	[dreg:$0x1] =	wrdreg $0xFFFFFFFF  }
0xa7: {  	s28 =	simm.s32 $_size_execute0_lowered;
	s3 =	sadd.s32 s3, s5;
	[dreg:$0x0] =	wrdreg $0x0  }
0xa8: {  	s5 =	sshll.u32 s28, $0x1;
	[dreg:$0x2] =	wrdreg s3  }
0xa9: {  	[dreg:$0x3] =	wrdreg s5  }
0xaa: {  	[dreg:$0x4] =	wrdreg $0xC0  }
0xab: {  	_ =	task [dreg:s7], $0x5FFFF  }
0xac: {  	[dreg:$0x1] =	wrdreg $0xFFFFFFFF  }
0xad: {  	[dreg:$0x0] =	wrdreg $0x60  }
0xae: {  	[dreg:$0x2] =	wrdreg s2  }
0xaf: {  	[dreg:$0x3] =	wrdreg s24  }
0xb0: {  	[dreg:$0x4] =	wrdreg $0x9  }
0xb1: {  	_ =	task.clear_ibuf [dreg:s7], $0x5FFFF;
	_ =	strace $0x90000046  }
0xb2: {  	s29 =	simm.s32 $0x9;
	_ =	strace $0x80000048  }
0xb3: {  	_ =	swait.ge [sflag:s29], $0x1  }
0xb4: {  	[sflag:s29] =	ssyncadd.s32 $0xFFFFFFFF  }
0xb5: {  	_ =	strace $0x90000048  }
0xb6: {  	_ =	sfence  }
0xb7: {  	s30 =	sld [smem:$0x0];
	_ =	sdelay $0x2  }
0xb8: {  	s31 =	sshll.u32 s1, $0xD;
	s1 =	sshrl.u32 s1, $0x2  }
0xb9: {  	s3 =	sand.u32 $0x4000, s31;
	s1 =	sadd.s32 s1, s30  }
0xba: {  	s0 =	sor.u32 s3, s0;
	s1 =	sshll.u32 s1, $0x11  }
0xbb: {  	s0 =	sor.u32 s1, s0  }
0xbc: {  	s0 =	sadd.s32 $0x8F2B, s0  }
0xbd: {  	[sflag:s0] =	ssyncadd.remote.s32 $0x1  }
0xbe: {  	_ =	sfence.sel $0xFFFF  }
0xbf: {  	[dreg:$0x0] =	wrdreg $0xFFFFFFFF;
	(pc) =	sbr.abs _section_cstart, $3  }
0xc0: {  	[dreg:$0x1] =	wrdreg $0xFFFFFFFF  }
0xc1: {  	_ =	task.clear_ibuf [dreg:s7], $0x2FFFF;
	_ =	strace $0x9FFFFFFF  }
0xc2: {  	(tm) =	ssettm $0x7FFFFFFF  }
0xc3: {  	_ =	shalt  }
tec
execute0_lowered:
.L_overlay_start_1:
0x0: {  	(tag) =	ssettag $0x1  }
0x1: {  	s0 =	srdreg.scid  }
0x2: {  	s5 =	sand.u32 $0x1, s0;
	s0 =	stileid.u32  }
0x3: {  	s3 =	sor.u32 s0, s5  }
0x4: {  	p0 =	sne.s32 s3, $0x0  }
.Ltmp0:
0x5: {  	_ = 	snop;
	(pc) =	sbr.rel @!p0 .LBB2_1-.Ltmp0, $4  }
0x6: {  	_ = 	snop  }
0x7: {  	s2 =	rddreg [dreg:$0x0]  }
0x8: {  	s6 =	rddreg [dreg:$0x1]  }
0x9: {  	s1 =	rddreg [dreg:$0x2];
	_ =	strace $0x80000047  }
.LBB2_6:
0xa: {  	_ =	sfence.sel $0x180000  }
0xb: {  	[bflag:$0x0] =	sbarrier.arrive $0xFFFF  }
0xc: {  	p0 =	sne.s32 s0, $0x0;
	_ =	strace $0x90000047  }
0xd: {  	s0 =	sadd.s32 @!p0 $0x100000, s1;
	[bflag:$0x2] =	sbarrier.arrive $0xFFFF  }
0xe: {  	[sflag:s0] =	ssyncadd.tile.s32 @!p0 $0x1;
	_ =	shalt  }
.LBB2_1:
0xf: {  	v0 =	vimm.s32 $0xEDCBA987  }
0x10: {  	v1 =	vimm.s32 $0x65432100;
	v0 =	vunpack.c.l.s4.s8 v0  }
0x11: {  	v6 =	vimm.s32 $0xE40000;
	v7 =	vimm.s32 $0x32100000;
	v1 =	vunpack.c.l.s4.s8 v1  }
0x12: {  	vm0 =	vcmask $0x3F04;
	vm1 =	vcmask $0x3F08;
	v2 =	vunpack.c.0.s8.s32 v0  }
0x13: {  	v0 =	vimm.s32 $0x54321000;
	v3 =	vunpack.c.0.s8.s32 v1;
	v1 =	vimm.s32 $0xDCBA9876  }
0x14: {  	v4 =	vunpack.c.l.s4.s8 v0;
	v5 =	vunpack.c.l.s4.s8 v1;
	v2 =	vand.u32 $0xF, v2  }
0x15: {  	vm2 =	vmmov $0x3;
	vm3 =	vcmask $0x3F10;
	v2 =	vcombine.low v3, v2  }
0x16: {  	v3 =	vunpack.c.0.s8.s32 v4;
	v4 =	vunpack.c.0.s8.s32 v5;
	v5 =	vimm.s32 $0xBA987654  }
0x17: {  	vm4 =	vmmov $0xf;
	v6 =	vunpack.c.l.s2.s4 v6;
	v5 =	vunpack.c.l.s4.s8 v5  }
0x18: {  	vm5 =	vcmask $0x3F30;
	v7 =	vunpack.c.l.s4.s8 v7;
	v4 =	vand.u32 $0xF, v4  }
0x19: {  	s3 =	sadd.s32 $0xB1A00, s6;
	v3 =	vcombine.low v3, v4;
	v4 =	vunpack.c.0.s8.s32 v5;
	v5 =	vunpack.c.l.s4.s8 v6  }
.Ltmp1:
0x1a: {  	s4 =	sadd.s32 $0xB1C00, s6;
	s7 =	ssub.s32 $0x2, s5;
	vm6 =	vmmov $0xff;
	vm7 =	vmmov $0x1;
	v6 =	vunpack.c.0.s8.s32 v7;
	(pc) =	sbr.rel .LBB2_2-.Ltmp1, $4  }
0x1b: {  	s5 =	sadd.s32 $0xB1E00, s6;
	s6 =	sadd.s32 $0xB2000, s6;
	s9 =	simm.s32 $0x1;
	v7 =	vimm.s32 $0x7060504;
	v4 =	vand.u32 $0xF, v4;
	v5 =	vunpack.c.0.s8.s32 v5  }
0x1c: {  	s10 =	simm.s32 $0x8000;
	s11 =	simm.s32 $0x8080;
	s12 =	simm.s32 $0x8300;
	v0 =	vimm.s32 $0x0;
	v4 =	vcombine.low v6, v4;
	v6 =	vunpack.c.0.s8.s32 v7  }
0x1d: {  	s13 =	simm.s32 $0x8400;
	s14 =	simm.s32 $0x8380;
	s8 =	sshrl.u32 s7, $0x1;
	v1 =	vlaneseq.u32;
	v7 =	vimm.s32 $0x1;
	v5 =	vand.u32 $0x3, v5  }
0x1e: {  	s15 =	simm.s32 $0x0;
	s7 =	ssub.s32 s7, s8;
	s8 =	simm.s32 $0x0;
	v5 =	vsel vm5, v6, v5;
	vm5 =	vcmask $0x3F20;
	v6 =	vimm.s32 $0xF  }
.LBB2_5:
0x1f: {  	v9 =	vld [tilespmem:$0x8300];
	_ =	sdelay $0x4  }
0x20: {  	v9 =	vshrl.u32 v9, $0x9  }
0x21: {  	vm8 =	veq.s32 v8, $0x0  }
0x22: {  	[tilespmem:$0x8400] =	vst v0;
	v8 =	vsel vm8, $0x4000, v8  }
0x23: {  	[tilespmem:$0x8410] =	vst v0;
	v8 =	vnsel vm7, $0x0, v8  }
0x24: {  	[tilespmem:$0x8380] =	vst v8  }
0x25: {  	[tilespmem:v9+s13+$0x0] =	vst.idx.msk $0xffff, v7  }
0x26: {  	v8 =	vld [tilespmem:$0x8310];
	_ =	sdelay $0x4  }
0x27: {  	v8 =	vshrl.u32 v8, $0x9;
	_ =	sdelay $0x4  }
0x28: {  	[tilespmem:v8+s13+$0x0] =	vst.idx.msk $0xffff, v7  }
0x29: {  	v8 =	vld [tilespmem:$0x8320];
	_ =	sdelay $0x4  }
0x2a: {  	v8 =	vshrl.u32 v8, $0x9;
	_ =	sdelay $0x4  }
0x2b: {  	[tilespmem:v8+s13+$0x0] =	vst.idx.msk $0xffff, v7  }
0x2c: {  	v8 =	vld [tilespmem:$0x8330];
	_ =	sdelay $0x4  }
0x2d: {  	v8 =	vshrl.u32 v8, $0x9;
	_ =	sdelay $0x4  }
0x2e: {  	[tilespmem:v8+s13+$0x0] =	vst.idx.msk $0xffff, v7  }
0x2f: {  	v8 =	vld [tilespmem:$0x8340];
	_ =	sdelay $0x4  }
0x30: {  	v8 =	vshrl.u32 v8, $0x9;
	_ =	sdelay $0x4  }
0x31: {  	[tilespmem:v8+s13+$0x0] =	vst.idx.msk $0xffff, v7  }
0x32: {  	v8 =	vld [tilespmem:$0x8350];
	_ =	sdelay $0x4  }
0x33: {  	v8 =	vshrl.u32 v8, $0x9;
	_ =	sdelay $0x4  }
0x34: {  	[tilespmem:v8+s13+$0x0] =	vst.idx.msk $0xffff, v7  }
0x35: {  	v8 =	vld [tilespmem:$0x8360];
	_ =	sdelay $0x4  }
0x36: {  	v8 =	vshrl.u32 v8, $0x9;
	_ =	sdelay $0x4  }
0x37: {  	[tilespmem:v8+s13+$0x0] =	vst.idx.msk $0xffff, v7  }
0x38: {  	v8 =	vld [tilespmem:$0x8370];
	_ =	sdelay $0x4  }
0x39: {  	v8 =	vshrl.u32 v8, $0x9;
	_ =	sdelay $0x4  }
0x3a: {  	[tilespmem:v8+s13+$0x0] =	vst.idx.msk $0xffff, v7  }
0x3b: {  	[hbm4b:s4+s8] =	stream.linear.scatter [tilespmem:s12], [sflag:$0x1], $0x80, $0x38;
	[tilespmem:$0x8480] =	vst v63  }
0x3c: {  	_ =	swait.ge [sflag:s9], $0x80  }
0x3d: {  	[sflag:s9] =	ssyncset.done $0x0  }
0x3e: {  	[sflag:s9] =	ssyncadd.s32 $0xFFFFFF80  }
0x3f: {  	[hbm4b:s5+s8] =	stream.linear.scatter [tilespmem:s14], [sflag:$0x1], $0x80, $0x38;
	[tilespmem:$0x8480] =	vst v63  }
0x40: {  	s15 =	sadd.s32 $0x1, s15;
	_ =	swait.ge [sflag:s9], $0x80  }
0x41: {  	p0 =	sne.s32 s15, s7;
	[sflag:s9] =	ssyncset.done $0x0  }
.Ltmp2:
0x42: {  	[sflag:s9] =	ssyncadd.s32 $0xFFFFFF80;
	(pc) =	sbr.rel @!p0 .LBB2_6-.Ltmp2, $4  }
0x43: {  	[hbm4b:s6+s8] =	stream.linear.scatter [tilespmem:s13], [sflag:$0x1], $0x80, $0x38;
	[tilespmem:$0x8480] =	vst v63  }
0x44: {  	_ =	swait.ge [sflag:s9], $0x80  }
0x45: {  	[sflag:s9] =	ssyncset.done $0x0  }
0x46: {  	[sflag:s9] =	ssyncadd.s32 $0xFFFFFF80  }
.LBB2_2:
0x47: {  	[tilespmem:s8], [sflag:$0x1] =	stream.linear.gather [hbm4b:s2+s8], $0x8000, $0x38;
	[tilespmem:$0x8480] =	vst v63  }
0x48: {  	_ =	swait.ge [sflag:s9], $0x8000  }
0x49: {  	[sflag:s9] =	ssyncset.done $0x0  }
0x4a: {  	[sflag:s9] =	ssyncadd.s32 $0xFFFF8000  }
0x4b: {  	[tilespmem:s10], [sflag:$0x1] =	stream.linear.gather [hbm4b:s3+s8], $0x80, $0x38;
	[tilespmem:$0x8480] =	vst v63  }
0x4c: {  	_ =	swait.ge [sflag:s9], $0x80  }
0x4d: {  	[sflag:s9] =	ssyncset.done $0x0  }
0x4e: {  	[sflag:s9] =	ssyncadd.s32 $0xFFFFFF80  }
0x4f: {  	v8 =	vld [tilespmem:$0x8000]  }
0x50: {  	v9 =	vld [tilespmem:$0x8010]  }
0x51: {  	v10 =	vld [tilespmem:$0x8020]  }
0x52: {  	v11 =	vld [tilespmem:$0x8030];
	_ =	sdelay $0x3  }
0x53: {  	vm8 =	vgt.f32 v8, v9  }
0x54: {  	v8 =	vsel vm8, v10, v11  }
0x55: {  	v8 =	vtrunc.f32 v8  }
0x56: {  	v8 =	vcvt.f32.s32 v8;
	_ =	sdelay $0x1  }
0x57: {  	(v2sf) =	vpush v8, $0x0;
	_ =	sdelay $0xb  }
0x58: {  	[tilespmem:$0x8200] =	vst v1  }
0x59: {  	[tilespmem:$0x8280] =	vst v0  }
0x5a: {  	[tilespmem:$0x8300] =	vst v0  }
0x5b: {  	[tilespmem:$0x8310] =	vst v0;
	s16 =	spop (v2sf)  }
0x5c: {  	[tilespmem:$0x8320] =	vst v0;
	s17 =	ssub.s32 $0x80, s16;
	p1 =	sgt.s32 s16, $0x0  }
0x5d: {  	[tilespmem:$0x8330] =	vst v0;
	p0 =	slt.s32 @!p1 s17, $0x1  }
0x5e: {  	[tilespmem:$0x8340] =	vst v0;
	p0 =	por p1, !p0  }
.Ltmp3:
0x5f: {  	[tilespmem:$0x8350] =	vst v0;
	(pc) =	sbr.rel @!p0 .LBB2_5-.Ltmp3, $4  }
0x60: {  	[tilespmem:$0x8360] =	vst v0  }
0x61: {  	[tilespmem:$0x8370] =	vst v0;
	v9 =	vsel vm8, $0x1, v0  }
0x62: {  	[tilespmem:$0x8100] =	vst v9  }
0x63: {  	[tilespmem:$0x8180] =	vst v8  }
0x64: {  	p0 =	slt.s32 s16, $0x80;
	s18 =	simm.s32 $0x0  }
0x65: {  	s19 =	simm.s32 $0x0;
	s20 =	simm.s32 $0x0;
	s16 =	simm.s32 @!p0 $0x80  }
0x66: {  	s18 =	simm.s32 @p1 $0x0;
	s19 =	simm.s32 @p1 $0x0;
	s20 =	simm.s32 @p1 $0x0  }
.LBB2_4:
0x67: {  	v9 =	vld [tilespmem:$0x8100]  }
0x68: {  	v10 =	vld [tilespmem:s19+$0x0];
	s21 =	sand.u32 $0x3FF0, s18  }
0x69: {  	v11 =	vld [tilespmem:s21+$0x4000];
	_ =	sdelay $0x3  }
0x6a: {  	vm8 =	veq.s32 v9, $0x0  }
0x6b: {  	v9 =	vsel vm8, v11, v10  }
0x6c: {  	vm8 =	vlt.f32 v9, $0.0e+00;
	vm9 =	vgt.f32 v9, $0.0e+00  }
0x6d: {  	vm8 =	vmor vm9, vm8  }
0x6e: {  	v9 =	vsel vm8, $0x1, v0  }
0x6f: {  	[tilespmem:$0x8080] =	vst v9  }
0x70: {  	v10 =	vld.idx.msk [tilespmem:v2+s11+$0x0], vm0;
	_ =	sdelay $0x3  }
0x71: {  	vm15 =	veq.s32 v1, $0x0  }
0x72: {  	v10 =	vsel vm15, $0x0, v10  }
0x73: {  	v9 =	vadd.s32 v9, v10  }
0x74: {  	[tilespmem:$0x8080] =	vst v9  }
0x75: {  	v10 =	vld.idx.msk [tilespmem:v3+s11+$0x0], vm1;
	_ =	sdelay $0x4  }
0x76: {  	v10 =	vsel vm2, $0x0, v10  }
0x77: {  	v9 =	vadd.s32 v9, v10  }
0x78: {  	[tilespmem:$0x8080] =	vst v9  }
0x79: {  	v10 =	vld.idx.msk [tilespmem:v4+s11+$0x0], vm3;
	_ =	sdelay $0x4  }
0x7a: {  	v10 =	vsel vm4, $0x0, v10  }
0x7b: {  	v9 =	vadd.s32 v9, v10  }
0x7c: {  	v10 =	vld [tilespmem:$0x8280];
	[tilespmem:$0x8080] =	vst v9  }
0x7d: {  	v11 =	vld.idx.msk [tilespmem:v5+s11+$0x0], vm5;
	_ =	sdelay $0x4  }
0x7e: {  	v9 =	vadd.s32 v10, v9;
	v11 =	vsel vm6, $0x0, v11  }
0x7f: {  	v9 =	vadd.s32 v11, v9  }
0x80: {  	(v2sf) =	vpush v9, $0xF;
	_ =	sdelay $0x2  }
0x81: {  	v10 =	vld [tilespmem:$0x8180]  }
0x82: {  	v11 =	vld [tilespmem:$0x8200];
	_ =	sdelay $0x4  }
0x83: {  	v10 =	vadd.s32 v10, v11  }
0x84: {  	v12 =	vadd.s32 $0xFFFFFFFF, v9;
	v10 =	vsub.s32 v10, v9  }
0x85: {  	v10 =	vsel vm8, v12, v10  }
0x86: {  	vm8 =	vlt.s32 v10, $0x80;
	_ =	sdelay $0x2  }
0x87: {  	s18 =	sadd.s32 $0x10, s18;
	s31 =	spop (v2sf)  }
0x88: {  	s22 =	ssub.s32 s18, s31  }
0x89: {  	p1 =	slt.s32 s22, s17  }
0x8a: {  	[tilespmem:v10+s12+$0x0] =	vst.idx.msk vm8, v11;
	p1 =	por !p0, !p1  }
0x8b: {  	[tilespmem:$0x8080] =	vst v9;
	p2 =	slt.s32 s31, s16;
	p1 =	por !p1, !p1  }
0x8c: {  	p6 =	sgt.u32 s20, $0x3FE;
	v9 =	vld.idx.msk [tilespmem:v6+s11+$0x0], $0xffff;
	p1 =	por p2, p1  }
0x8d: {  	p1 =	por p6, !p1  }
.Ltmp4:
0x8e: {  	_ = 	snop;
	(pc) =	sbr.rel @!p1 .LBB2_4-.Ltmp4, $3  }
0x8f: {  	_ =	sdelay $0x1  }
0x90: {  	[tilespmem:$0x8280] =	vst v9;
	v9 =	vadd.s32 $0x10, v11  }
0x91: {  	s20 =	sadd.s32 $0x1, s20;
	s19 =	sadd.s32 $0x10, s19;
	[tilespmem:$0x8200] =	vst v9  }
.Ltmp5:
0x92: {  	_ = 	snop;
	(pc) =	sbr.rel .LBB2_5-.Ltmp5, $1  }
0x93: {  	_ =	sdelay $0x3  }
.Lfunc_end2:
_tile_overlayer_lowered:
.L_overlay_start_2:
0x94: {  	(tag) =	ssettag $0x2  }
0x95: {  	s0 =	rddreg [dreg:$0x0];
	s2 =	stileid.u32  }
0x96: {  	s1 =	rddreg [dreg:$0x1];
	p0 =	sne.s32 s2, $0x0  }
0x97: {  	s3 =	rddreg [dreg:$0x2];
	[bflag:$0x3] =	sbarrier.arrive $0xFFFF;
	s2 =	simm.s32 @!p0 $0x1C01  }
0x98: {  	[timem:s3], [sflag:s2] =	dma.local @!p0 [hbm:s0], s1  }
0x99: {  	s0 =	simm.s32 @!p0 $0x1  }
0x9a: {  	_ =	swait.ge @!p0 [sflag:s0], s1  }
0x9b: {  	s1 =	ssub.s32 @!p0 $0x0, s1;
	[sflag:s0] =	ssyncset.done @!p0 $0x0  }
0x9c: {  	[sflag:s0] =	ssyncadd.s32 @!p0 s1  }
0x9d: {  	[bflag:$0x3] =	sbarrier.arrive $0xFFFF  }
0x9e: {  	_ =	shalt  }

</sc_bundles>
